<compile_context>
chip_gen: v7x
topology: tpu7x:2x2x1
jax: 0.10.2.dev20260603
libtpu: 0.0.44.dev20260713+nightly
codegen_flags: <defaults>
</compile_context>

<pallas_src>
import jax
import jax.numpy as jnp
from jax import lax
from jax.experimental import pallas as pl
from jax.experimental.pallas import tpu as pltpu
from jax.experimental.pallas import tpu_sc as plsc

_ROWS = 512
_COLS = 512
_KS = 5
_WI = _KS // 2

_NC = 2
_NS = 16
_NW = _NC * _NS
_L = 16
_NCHUNK = _COLS // _L

_SC_ROWS = 64
_TC_ROWS = _ROWS - _SC_ROWS
_RPW = _SC_ROWS // _NW
_XROWS = _RPW + 2 * _WI
_CPAD = 8
_XCOLS = _COLS + 2 * _CPAD


def _sc_body(x_hbm, w_hbm, o_hbm, xbuf, wbuf, obuf):
    cid = lax.axis_index("c")
    sid = lax.axis_index("s")
    wid = sid * _NC + cid
    row0 = _TC_ROWS + wid * _RPW

    zero = jnp.zeros((_L,), jnp.float32)
    for t in range(_XROWS):
        xbuf[t, pl.ds(0, _L)] = zero
        xbuf[t, pl.ds(_XCOLS - _L, _L)] = zero

    pltpu.sync_copy(
        x_hbm.at[pl.ds(row0, _XROWS), :],
        xbuf.at[pl.ds(0, _XROWS), pl.ds(_CPAD, _COLS)])
    pltpu.sync_copy(w_hbm, wbuf)

    ws = [wbuf[i, :][0] for i in range(_KS * _KS)]

    @plsc.parallel_loop(0, _RPW * _NCHUNK, step=1, unroll=4)
    def _(i):
        r = i // _NCHUNK
        c = i % _NCHUNK
        terms = []
        for a in range(_KS):
            t = r + 2 * _WI - a
            for b in range(_KS):
                off = c * _L + _CPAD + _WI - b
                chunk = xbuf[t, pl.ds(off, _L)]
                terms.append(ws[a * _KS + b] * chunk)
        while len(terms) > 1:
            nxt = [terms[j] + terms[j + 1] for j in range(0, len(terms) - 1, 2)]
            if len(terms) % 2:
                nxt.append(terms[-1])
            terms = nxt
        obuf[r, pl.ds(c * _L, _L)] = terms[0]

    pltpu.sync_copy(obuf, o_hbm.at[pl.ds(wid * _RPW, _RPW), :])


_TCB = _TC_ROWS + 8


def _tc_body(kw_ref, x_ref, o_ref, r_ref):
    nr = _TC_ROWS
    x = x_ref[...]
    ras = [None] * _KS
    for v in range(_KS):
        d = v - _WI
        if d < 0:
            sv = jnp.concatenate(
                [jnp.zeros((_TCB, -d), jnp.float32),
                 x[:, :_COLS + d]], axis=1)
        elif d > 0:
            sv = jnp.concatenate(
                [x[:, d:], jnp.zeros((_TCB, d), jnp.float32)], axis=1)
        else:
            sv = x
        b = 2 * _WI - v
        for a in range(_KS):
            term = kw_ref[a, b] * sv
            ras[a] = term if ras[a] is None else ras[a] + term
    for a in range(_KS):
        r_ref[a, :, :] = ras[a]
    acc = None
    for a in range(_KS):
        u = 2 * _WI - a
        term = r_ref[a, u:u + nr, :]
        acc = term if acc is None else acc + term
    o_ref[...] = acc


@jax.jit
def _splat_hybrid(x, kw, wvec):
    xp = jnp.zeros((_ROWS + 2 * _WI, _COLS), jnp.float32)
    xp = lax.dynamic_update_slice(xp, x, (_WI, 0))

    mesh = plsc.VectorSubcoreMesh(
        core_axis_name="c", subcore_axis_name="s",
        num_cores=_NC, num_subcores=_NS)
    out_sc = pl.kernel(
        _sc_body,
        out_type=jax.ShapeDtypeStruct((_SC_ROWS, _COLS), jnp.float32),
        mesh=mesh,
        scratch_types=[
            pltpu.VMEM((_XROWS, _XCOLS), jnp.float32),
            pltpu.VMEM((_KS * _KS, _L), jnp.float32),
            pltpu.VMEM((_RPW, _COLS), jnp.float32),
        ],
        compiler_params=pltpu.CompilerParams(use_tc_tiling_on_sc=False),
    )(xp, wvec)

    out_tc = pl.pallas_call(
        _tc_body,
        out_shape=jax.ShapeDtypeStruct((_TC_ROWS, _COLS), jnp.float32),
        grid=(1,),
        in_specs=[
            pl.BlockSpec(memory_space=pltpu.SMEM),
            pl.BlockSpec((_TCB, _COLS), lambda i: (0, 0)),
        ],
        out_specs=pl.BlockSpec((_TC_ROWS, _COLS), lambda i: (0, 0)),
        scratch_shapes=[
            pltpu.VMEM((_KS, _TCB, _COLS), jnp.float32),
        ],
    )(kw, xp)

    return jnp.concatenate([out_tc, out_sc], axis=0)


def kernel(input, kernel):
    wvec = jnp.tile(kernel.reshape(_KS * _KS, 1), (1, _L))
    return _splat_hybrid(input, kernel, wvec)

# --- scband reference (transcript-rebuilt; emitter-appended) ---
"""Pipeline reference for scband-splatter-78563541778948 (READ-ONLY COPY).

The authoritative reference and input builder live on the scoring server;
editing this copy changes nothing except your own understanding.
"""

import jax, jax.numpy as jnp
import numpy as np

ROWS = 512
COLS = 512
KERNEL_SIZE = 5


def setup_inputs(seed: int = 0) -> dict:
    key = jax.random.key(seed)
    k1, k2 = jax.random.split(key)
    inp = jax.random.normal(k1, (ROWS, COLS), dtype=jnp.float32)
    kernel = jax.random.normal(k2, (KERNEL_SIZE, KERNEL_SIZE), dtype=jnp.float32)
    return {"input": inp, "kernel": kernel}


def reference(input, kernel):
    # Faithful jax translation of splat_conv2d: every (possibly nonzero) input
    # element scatters (adds) its value * kernel onto a kernel_size x kernel_size
    # window of the padded output grid. The nonzero check in the original is a
    # pure optimization (zero elements contribute zero), so math is identical.
    rows, cols = input.shape
    ws = kernel.shape[0]
    wi = ws // 2
    pad_input = jnp.zeros((rows + 2 * wi, cols + 2 * wi), dtype=input.dtype)
    pad_input = pad_input.at[wi:wi + rows, wi:wi + cols].set(input)
    output = jnp.zeros_like(pad_input)
    inner = pad_input[wi:wi + rows, wi:wi + cols]
    # scatter-add: out[i0 + a, j0 + b] += input[i0, j0] * kernel[a, b]
    for a in range(ws):
        for b in range(ws):
            output = output.at[a:a + rows, b:b + cols].add(inner * kernel[a, b])
    output = output[wi:-wi, wi:-wi]
    return output

if __name__ == "__main__":
    import jax
    _d = setup_inputs()
    print(jax.jit(kernel)(*tuple(_d.values())))

</pallas_src>

<mosaic_0001>
#map = affine_map<(d0, d1) -> (0, 0)>
module attributes {stable_mosaic.version = 14 : i64} {
  func.func @_sc_body(%arg0: i32, %arg1: i32, %arg2: memref<516x512xf32, #tpu.memory_space<hbm>>, %arg3: memref<25x16xf32, #tpu.memory_space<hbm>>, %arg4: memref<64x512xf32, #tpu.memory_space<hbm>>, %arg5: memref<6x528xf32, #tpu.memory_space<vmem>>, %arg6: memref<25x16xf32, #tpu.memory_space<vmem>>, %arg7: memref<2x512xf32, #tpu.memory_space<vmem>>) attributes {dimension_semantics = [#tpu.dimension_semantics<core_parallel>, #tpu.dimension_semantics<subcore_parallel>], iteration_bounds = array<i64: 2, 16>, scalar_prefetch = 0 : i64, scratch_operands = 3 : i64, tpu.core_type = #tpu.core_type<sc_vector_subcore>, window_params = [{transform_indices = #map}, {transform_indices = #map}, {transform_indices = #map}]} {
    %mul3A = arith.constant 2 : i32
    %mul3A_0 = arith.muli %arg1, %mul3A : i32
    %add3A = arith.addi %mul3A_0, %arg0 : i32
    %mul3A_1 = arith.constant 2 : i32
    %mul3A_2 = arith.muli %add3A, %mul3A_1 : i32
    %add3A_3 = arith.constant 448 : i32
    %add3A_4 = arith.addi %add3A_3, %mul3A_2 : i32
    %broadcast_in_dim3A = arith.constant 0.000000e+00 : f32
    %broadcast_in_dim3A_5 = vector.broadcast %broadcast_in_dim3A : f32 to vector<16xf32>
    %swap3A = arith.constant 0 : i32
    %swap3A_6 = arith.index_cast %swap3A : i32 to index
    %swap3A_7 = arith.constant 0 : index
    %swap3A_8 = tpu.vector_load %arg5[%swap3A_6, %swap3A_7] {strides = array<i32>} : memref<6x528xf32, #tpu.memory_space<vmem>>, vector<1x16xf32>,
    %swap3A_9 = vector.shape_cast %swap3A_8 : vector<1x16xf32> to vector<16xf32>
    %swap3A_10 = vector.shape_cast %broadcast_in_dim3A_5 : vector<16xf32> to vector<1x16xf32>
    tpu.vector_store %arg5[%swap3A_6, %swap3A_7], %swap3A_10 {strides = array<i32>} : memref<6x528xf32, #tpu.memory_space<vmem>>, vector<1x16xf32>,
    %swap3A_11 = arith.constant 0 : i32
    %swap3A_12 = arith.index_cast %swap3A_11 : i32 to index
    %swap3A_13 = arith.constant 512 : index
    %swap3A_14 = tpu.vector_load %arg5[%swap3A_12, %swap3A_13] {strides = array<i32>} : memref<6x528xf32, #tpu.memory_space<vmem>>, vector<1x16xf32>,
    %swap3A_15 = vector.shape_cast %swap3A_14 : vector<1x16xf32> to vector<16xf32>
    %swap3A_16 = vector.shape_cast %broadcast_in_dim3A_5 : vector<16xf32> to vector<1x16xf32>
    tpu.vector_store %arg5[%swap3A_12, %swap3A_13], %swap3A_16 {strides = array<i32>} : memref<6x528xf32, #tpu.memory_space<vmem>>, vector<1x16xf32>,
    %swap3A_17 = arith.constant 1 : i32
    %swap3A_18 = arith.index_cast %swap3A_17 : i32 to index
    %swap3A_19 = arith.constant 0 : index
    %swap3A_20 = tpu.vector_load %arg5[%swap3A_18, %swap3A_19] {strides = array<i32>} : memref<6x528xf32, #tpu.memory_space<vmem>>, vector<1x16xf32>,
    %swap3A_21 = vector.shape_cast %swap3A_20 : vector<1x16xf32> to vector<16xf32>
    %swap3A_22 = vector.shape_cast %broadcast_in_dim3A_5 : vector<16xf32> to vector<1x16xf32>
    tpu.vector_store %arg5[%swap3A_18, %swap3A_19], %swap3A_22 {strides = array<i32>} : memref<6x528xf32, #tpu.memory_space<vmem>>, vector<1x16xf32>,
    %swap3A_23 = arith.constant 1 : i32
    %swap3A_24 = arith.index_cast %swap3A_23 : i32 to index
    %swap3A_25 = arith.constant 512 : index
    %swap3A_26 = tpu.vector_load %arg5[%swap3A_24, %swap3A_25] {strides = array<i32>} : memref<6x528xf32, #tpu.memory_space<vmem>>, vector<1x16xf32>,
    %swap3A_27 = vector.shape_cast %swap3A_26 : vector<1x16xf32> to vector<16xf32>
    %swap3A_28 = vector.shape_cast %broadcast_in_dim3A_5 : vector<16xf32> to vector<1x16xf32>
    tpu.vector_store %arg5[%swap3A_24, %swap3A_25], %swap3A_28 {strides = array<i32>} : memref<6x528xf32, #tpu.memory_space<vmem>>, vector<1x16xf32>,
    %swap3A_29 = arith.constant 2 : i32
    %swap3A_30 = arith.index_cast %swap3A_29 : i32 to index
    %swap3A_31 = arith.constant 0 : index
    %swap3A_32 = tpu.vector_load %arg5[%swap3A_30, %swap3A_31] {strides = array<i32>} : memref<6x528xf32, #tpu.memory_space<vmem>>, vector<1x16xf32>,
    %swap3A_33 = vector.shape_cast %swap3A_32 : vector<1x16xf32> to vector<16xf32>
    %swap3A_34 = vector.shape_cast %broadcast_in_dim3A_5 : vector<16xf32> to vector<1x16xf32>
    tpu.vector_store %arg5[%swap3A_30, %swap3A_31], %swap3A_34 {strides = array<i32>} : memref<6x528xf32, #tpu.memory_space<vmem>>, vector<1x16xf32>,
    %swap3A_35 = arith.constant 2 : i32
    %swap3A_36 = arith.index_cast %swap3A_35 : i32 to index
    %swap3A_37 = arith.constant 512 : index
    %swap3A_38 = tpu.vector_load %arg5[%swap3A_36, %swap3A_37] {strides = array<i32>} : memref<6x528xf32, #tpu.memory_space<vmem>>, vector<1x16xf32>,
    %swap3A_39 = vector.shape_cast %swap3A_38 : vector<1x16xf32> to vector<16xf32>
    %swap3A_40 = vector.shape_cast %broadcast_in_dim3A_5 : vector<16xf32> to vector<1x16xf32>
    tpu.vector_store %arg5[%swap3A_36, %swap3A_37], %swap3A_40 {strides = array<i32>} : memref<6x528xf32, #tpu.memory_space<vmem>>, vector<1x16xf32>,
    %swap3A_41 = arith.constant 3 : i32
    %swap3A_42 = arith.index_cast %swap3A_41 : i32 to index
    %swap3A_43 = arith.constant 0 : index
    %swap3A_44 = tpu.vector_load %arg5[%swap3A_42, %swap3A_43] {strides = array<i32>} : memref<6x528xf32, #tpu.memory_space<vmem>>, vector<1x16xf32>,
    %swap3A_45 = vector.shape_cast %swap3A_44 : vector<1x16xf32> to vector<16xf32>
    %swap3A_46 = vector.shape_cast %broadcast_in_dim3A_5 : vector<16xf32> to vector<1x16xf32>
    tpu.vector_store %arg5[%swap3A_42, %swap3A_43], %swap3A_46 {strides = array<i32>} : memref<6x528xf32, #tpu.memory_space<vmem>>, vector<1x16xf32>,
    %swap3A_47 = arith.constant 3 : i32
    %swap3A_48 = arith.index_cast %swap3A_47 : i32 to index
    %swap3A_49 = arith.constant 512 : index
    %swap3A_50 = tpu.vector_load %arg5[%swap3A_48, %swap3A_49] {strides = array<i32>} : memref<6x528xf32, #tpu.memory_space<vmem>>, vector<1x16xf32>,
    %swap3A_51 = vector.shape_cast %swap3A_50 : vector<1x16xf32> to vector<16xf32>
    %swap3A_52 = vector.shape_cast %broadcast_in_dim3A_5 : vector<16xf32> to vector<1x16xf32>
    tpu.vector_store %arg5[%swap3A_48, %swap3A_49], %swap3A_52 {strides = array<i32>} : memref<6x528xf32, #tpu.memory_space<vmem>>, vector<1x16xf32>,
    %swap3A_53 = arith.constant 4 : i32
    %swap3A_54 = arith.index_cast %swap3A_53 : i32 to index
    %swap3A_55 = arith.constant 0 : index
    %swap3A_56 = tpu.vector_load %arg5[%swap3A_54, %swap3A_55] {strides = array<i32>} : memref<6x528xf32, #tpu.memory_space<vmem>>, vector<1x16xf32>,
    %swap3A_57 = vector.shape_cast %swap3A_56 : vector<1x16xf32> to vector<16xf32>
    %swap3A_58 = vector.shape_cast %broadcast_in_dim3A_5 : vector<16xf32> to vector<1x16xf32>
    tpu.vector_store %arg5[%swap3A_54, %swap3A_55], %swap3A_58 {strides = array<i32>} : memref<6x528xf32, #tpu.memory_space<vmem>>, vector<1x16xf32>,
    %swap3A_59 = arith.constant 4 : i32
    %swap3A_60 = arith.index_cast %swap3A_59 : i32 to index
    %swap3A_61 = arith.constant 512 : index
    %swap3A_62 = tpu.vector_load %arg5[%swap3A_60, %swap3A_61] {strides = array<i32>} : memref<6x528xf32, #tpu.memory_space<vmem>>, vector<1x16xf32>,
    %swap3A_63 = vector.shape_cast %swap3A_62 : vector<1x16xf32> to vector<16xf32>
    %swap3A_64 = vector.shape_cast %broadcast_in_dim3A_5 : vector<16xf32> to vector<1x16xf32>
    tpu.vector_store %arg5[%swap3A_60, %swap3A_61], %swap3A_64 {strides = array<i32>} : memref<6x528xf32, #tpu.memory_space<vmem>>, vector<1x16xf32>,
    %swap3A_65 = arith.constant 5 : i32
    %swap3A_66 = arith.index_cast %swap3A_65 : i32 to index
    %swap3A_67 = arith.constant 0 : index
    %swap3A_68 = tpu.vector_load %arg5[%swap3A_66, %swap3A_67] {strides = array<i32>} : memref<6x528xf32, #tpu.memory_space<vmem>>, vector<1x16xf32>,
    %swap3A_69 = vector.shape_cast %swap3A_68 : vector<1x16xf32> to vector<16xf32>
    %swap3A_70 = vector.shape_cast %broadcast_in_dim3A_5 : vector<16xf32> to vector<1x16xf32>
    tpu.vector_store %arg5[%swap3A_66, %swap3A_67], %swap3A_70 {strides = array<i32>} : memref<6x528xf32, #tpu.memory_space<vmem>>, vector<1x16xf32>,
    %swap3A_71 = arith.constant 5 : i32
    %swap3A_72 = arith.index_cast %swap3A_71 : i32 to index
    %swap3A_73 = arith.constant 512 : index
    %swap3A_74 = tpu.vector_load %arg5[%swap3A_72, %swap3A_73] {strides = array<i32>} : memref<6x528xf32, #tpu.memory_space<vmem>>, vector<1x16xf32>,
    %swap3A_75 = vector.shape_cast %swap3A_74 : vector<1x16xf32> to vector<16xf32>
    %swap3A_76 = vector.shape_cast %broadcast_in_dim3A_5 : vector<16xf32> to vector<1x16xf32>
    tpu.vector_store %arg5[%swap3A_72, %swap3A_73], %swap3A_76 {strides = array<i32>} : memref<6x528xf32, #tpu.memory_space<vmem>>, vector<1x16xf32>,
    "tpu.region"() ({
      %run_scoped3A = tpu.sem_alloc : memref<!tpu.dma_semaphore, #tpu.memory_space<semaphore_mem>>
      %dma_start3A = arith.constant 0 : i32
      %dma_start3A_253 = arith.constant 8 : i32
      %dma_start3A_254 = tpu.memref_slice %arg5[%dma_start3A, %dma_start3A_253] : memref<6x528xf32, #tpu.memory_space<vmem>> -> memref<6x512xf32, #tpu.memory_space<vmem>>
      %dma_start3A_255 = arith.constant 0 : i32
      %dma_start3A_256 = tpu.memref_slice %arg2[%add3A_4, %dma_start3A_255] : memref<516x512xf32, #tpu.memory_space<hbm>> -> memref<6x512xf32, #tpu.memory_space<hbm>>
      %dma_start3A_257 = arith.constant 0 : i32
      %dma_start3A_258 = arith.constant 8 : i32
      %dma_start3A_259 = tpu.memref_slice %arg5[%dma_start3A_257, %dma_start3A_258] : memref<6x528xf32, #tpu.memory_space<vmem>> -> memref<6x512xf32, #tpu.memory_space<vmem>>
      %dma_start3A_260 = arith.constant 0 : i32
      %dma_start3A_261 = tpu.memref_slice %arg2[%add3A_4, %dma_start3A_260] : memref<516x512xf32, #tpu.memory_space<hbm>> -> memref<6x512xf32, #tpu.memory_space<hbm>>
      tpu.enqueue_dma source(%dma_start3A_261 : memref<6x512xf32, #tpu.memory_space<hbm>>) target(%dma_start3A_259 : memref<6x512xf32, #tpu.memory_space<vmem>>) target_semaphore(%run_scoped3A : memref<!tpu.dma_semaphore, #tpu.memory_space<semaphore_mem>>)
      %dma_wait3A = arith.constant 0 : i32
      %dma_wait3A_262 = arith.constant 8 : i32
      %dma_wait3A_263 = tpu.memref_slice %arg5[%dma_wait3A, %dma_wait3A_262] : memref<6x528xf32, #tpu.memory_space<vmem>> -> memref<6x512xf32, #tpu.memory_space<vmem>>
      %dma_wait3A_264 = arith.constant 0 : i32
      %dma_wait3A_265 = tpu.memref_slice %arg2[%add3A_4, %dma_wait3A_264] : memref<516x512xf32, #tpu.memory_space<hbm>> -> memref<6x512xf32, #tpu.memory_space<hbm>>
      %dma_wait3A_266 = arith.constant 0 : i32
      %dma_wait3A_267 = arith.constant 8 : i32
      %dma_wait3A_268 = tpu.memref_slice %arg5[%dma_wait3A_266, %dma_wait3A_267] : memref<6x528xf32, #tpu.memory_space<vmem>> -> memref<6x512xf32, #tpu.memory_space<vmem>>
      %dma_wait3A_269 = arith.constant 0 : i32
      %dma_wait3A_270 = tpu.memref_slice %arg2[%add3A_4, %dma_wait3A_269] : memref<516x512xf32, #tpu.memory_space<hbm>> -> memref<6x512xf32, #tpu.memory_space<hbm>>
      tpu.wait_dma2 semaphore(%run_scoped3A : memref<!tpu.dma_semaphore, #tpu.memory_space<semaphore_mem>>) src(%dma_wait3A_270 : memref<6x512xf32, #tpu.memory_space<hbm>>) dst(%dma_wait3A_268 : memref<6x512xf32, #tpu.memory_space<vmem>>)
      tpu.yield
    }) : () -> ()
    "tpu.region"() ({
      %run_scoped3A = tpu.sem_alloc : memref<!tpu.dma_semaphore, #tpu.memory_space<semaphore_mem>>
      tpu.enqueue_dma source(%arg3 : memref<25x16xf32, #tpu.memory_space<hbm>>) target(%arg6 : memref<25x16xf32, #tpu.memory_space<vmem>>) target_semaphore(%run_scoped3A : memref<!tpu.dma_semaphore, #tpu.memory_space<semaphore_mem>>)
      tpu.wait_dma2 semaphore(%run_scoped3A : memref<!tpu.dma_semaphore, #tpu.memory_space<semaphore_mem>>) src(%arg3 : memref<25x16xf32, #tpu.memory_space<hbm>>) dst(%arg6 : memref<25x16xf32, #tpu.memory_space<vmem>>)
      tpu.yield
    }) : () -> ()
    %get3A = arith.constant 0 : i32
    %get3A_77 = arith.index_cast %get3A : i32 to index
    %get3A_78 = arith.constant 0 : index
    %get3A_79 = tpu.vector_load %arg6[%get3A_77, %get3A_78] {strides = array<i32>} : memref<25x16xf32, #tpu.memory_space<vmem>>, vector<1x16xf32>,
    %get3A_80 = vector.shape_cast %get3A_79 : vector<1x16xf32> to vector<16xf32>
    %slice3A = vector.extract_strided_slice %get3A_80 {offsets = [0], sizes = [1], strides = [1]} : vector<16xf32> to vector<1xf32>
    %squeeze3A = vector.extract %slice3A[0] : f32 from vector<1xf32>
    %get3A_81 = arith.constant 1 : i32
    %get3A_82 = arith.index_cast %get3A_81 : i32 to index
    %get3A_83 = arith.constant 0 : index
    %get3A_84 = tpu.vector_load %arg6[%get3A_82, %get3A_83] {strides = array<i32>} : memref<25x16xf32, #tpu.memory_space<vmem>>, vector<1x16xf32>,
    %get3A_85 = vector.shape_cast %get3A_84 : vector<1x16xf32> to vector<16xf32>
    %slice3A_86 = vector.extract_strided_slice %get3A_85 {offsets = [0], sizes = [1], strides = [1]} : vector<16xf32> to vector<1xf32>
    %squeeze3A_87 = vector.extract %slice3A_86[0] : f32 from vector<1xf32>
    %get3A_88 = arith.constant 2 : i32
    %get3A_89 = arith.index_cast %get3A_88 : i32 to index
    %get3A_90 = arith.constant 0 : index
    %get3A_91 = tpu.vector_load %arg6[%get3A_89, %get3A_90] {strides = array<i32>} : memref<25x16xf32, #tpu.memory_space<vmem>>, vector<1x16xf32>,
    %get3A_92 = vector.shape_cast %get3A_91 : vector<1x16xf32> to vector<16xf32>
    %slice3A_93 = vector.extract_strided_slice %get3A_92 {offsets = [0], sizes = [1], strides = [1]} : vector<16xf32> to vector<1xf32>
    %squeeze3A_94 = vector.extract %slice3A_93[0] : f32 from vector<1xf32>
    %get3A_95 = arith.constant 3 : i32
    %get3A_96 = arith.index_cast %get3A_95 : i32 to index
    %get3A_97 = arith.constant 0 : index
    %get3A_98 = tpu.vector_load %arg6[%get3A_96, %get3A_97] {strides = array<i32>} : memref<25x16xf32, #tpu.memory_space<vmem>>, vector<1x16xf32>,
    %get3A_99 = vector.shape_cast %get3A_98 : vector<1x16xf32> to vector<16xf32>
    %slice3A_100 = vector.extract_strided_slice %get3A_99 {offsets = [0], sizes = [1], strides = [1]} : vector<16xf32> to vector<1xf32>
    %squeeze3A_101 = vector.extract %slice3A_100[0] : f32 from vector<1xf32>
    %get3A_102 = arith.constant 4 : i32
    %get3A_103 = arith.index_cast %get3A_102 : i32 to index
    %get3A_104 = arith.constant 0 : index
    %get3A_105 = tpu.vector_load %arg6[%get3A_103, %get3A_104] {strides = array<i32>} : memref<25x16xf32, #tpu.memory_space<vmem>>, vector<1x16xf32>,
    %get3A_106 = vector.shape_cast %get3A_105 : vector<1x16xf32> to vector<16xf32>
    %slice3A_107 = vector.extract_strided_slice %get3A_106 {offsets = [0], sizes = [1], strides = [1]} : vector<16xf32> to vector<1xf32>
    %squeeze3A_108 = vector.extract %slice3A_107[0] : f32 from vector<1xf32>
    %get3A_109 = arith.constant 5 : i32
    %get3A_110 = arith.index_cast %get3A_109 : i32 to index
    %get3A_111 = arith.constant 0 : index
    %get3A_112 = tpu.vector_load %arg6[%get3A_110, %get3A_111] {strides = array<i32>} : memref<25x16xf32, #tpu.memory_space<vmem>>, vector<1x16xf32>,
    %get3A_113 = vector.shape_cast %get3A_112 : vector<1x16xf32> to vector<16xf32>
    %slice3A_114 = vector.extract_strided_slice %get3A_113 {offsets = [0], sizes = [1], strides = [1]} : vector<16xf32> to vector<1xf32>
    %squeeze3A_115 = vector.extract %slice3A_114[0] : f32 from vector<1xf32>
    %get3A_116 = arith.constant 6 : i32
    %get3A_117 = arith.index_cast %get3A_116 : i32 to index
    %get3A_118 = arith.constant 0 : index
    %get3A_119 = tpu.vector_load %arg6[%get3A_117, %get3A_118] {strides = array<i32>} : memref<25x16xf32, #tpu.memory_space<vmem>>, vector<1x16xf32>,
    %get3A_120 = vector.shape_cast %get3A_119 : vector<1x16xf32> to vector<16xf32>
    %slice3A_121 = vector.extract_strided_slice %get3A_120 {offsets = [0], sizes = [1], strides = [1]} : vector<16xf32> to vector<1xf32>
    %squeeze3A_122 = vector.extract %slice3A_121[0] : f32 from vector<1xf32>
    %get3A_123 = arith.constant 7 : i32
    %get3A_124 = arith.index_cast %get3A_123 : i32 to index
    %get3A_125 = arith.constant 0 : index
    %get3A_126 = tpu.vector_load %arg6[%get3A_124, %get3A_125] {strides = array<i32>} : memref<25x16xf32, #tpu.memory_space<vmem>>, vector<1x16xf32>,
    %get3A_127 = vector.shape_cast %get3A_126 : vector<1x16xf32> to vector<16xf32>
    %slice3A_128 = vector.extract_strided_slice %get3A_127 {offsets = [0], sizes = [1], strides = [1]} : vector<16xf32> to vector<1xf32>
    %squeeze3A_129 = vector.extract %slice3A_128[0] : f32 from vector<1xf32>
    %get3A_130 = arith.constant 8 : i32
    %get3A_131 = arith.index_cast %get3A_130 : i32 to index
    %get3A_132 = arith.constant 0 : index
    %get3A_133 = tpu.vector_load %arg6[%get3A_131, %get3A_132] {strides = array<i32>} : memref<25x16xf32, #tpu.memory_space<vmem>>, vector<1x16xf32>,
    %get3A_134 = vector.shape_cast %get3A_133 : vector<1x16xf32> to vector<16xf32>
    %slice3A_135 = vector.extract_strided_slice %get3A_134 {offsets = [0], sizes = [1], strides = [1]} : vector<16xf32> to vector<1xf32>
    %squeeze3A_136 = vector.extract %slice3A_135[0] : f32 from vector<1xf32>
    %get3A_137 = arith.constant 9 : i32
    %get3A_138 = arith.index_cast %get3A_137 : i32 to index
    %get3A_139 = arith.constant 0 : index
    %get3A_140 = tpu.vector_load %arg6[%get3A_138, %get3A_139] {strides = array<i32>} : memref<25x16xf32, #tpu.memory_space<vmem>>, vector<1x16xf32>,
    %get3A_141 = vector.shape_cast %get3A_140 : vector<1x16xf32> to vector<16xf32>
    %slice3A_142 = vector.extract_strided_slice %get3A_141 {offsets = [0], sizes = [1], strides = [1]} : vector<16xf32> to vector<1xf32>
    %squeeze3A_143 = vector.extract %slice3A_142[0] : f32 from vector<1xf32>
    %get3A_144 = arith.constant 10 : i32
    %get3A_145 = arith.index_cast %get3A_144 : i32 to index
    %get3A_146 = arith.constant 0 : index
    %get3A_147 = tpu.vector_load %arg6[%get3A_145, %get3A_146] {strides = array<i32>} : memref<25x16xf32, #tpu.memory_space<vmem>>, vector<1x16xf32>,
    %get3A_148 = vector.shape_cast %get3A_147 : vector<1x16xf32> to vector<16xf32>
    %slice3A_149 = vector.extract_strided_slice %get3A_148 {offsets = [0], sizes = [1], strides = [1]} : vector<16xf32> to vector<1xf32>
    %squeeze3A_150 = vector.extract %slice3A_149[0] : f32 from vector<1xf32>
    %get3A_151 = arith.constant 11 : i32
    %get3A_152 = arith.index_cast %get3A_151 : i32 to index
    %get3A_153 = arith.constant 0 : index
    %get3A_154 = tpu.vector_load %arg6[%get3A_152, %get3A_153] {strides = array<i32>} : memref<25x16xf32, #tpu.memory_space<vmem>>, vector<1x16xf32>,
    %get3A_155 = vector.shape_cast %get3A_154 : vector<1x16xf32> to vector<16xf32>
    %slice3A_156 = vector.extract_strided_slice %get3A_155 {offsets = [0], sizes = [1], strides = [1]} : vector<16xf32> to vector<1xf32>
    %squeeze3A_157 = vector.extract %slice3A_156[0] : f32 from vector<1xf32>
    %get3A_158 = arith.constant 12 : i32
    %get3A_159 = arith.index_cast %get3A_158 : i32 to index
    %get3A_160 = arith.constant 0 : index
    %get3A_161 = tpu.vector_load %arg6[%get3A_159, %get3A_160] {strides = array<i32>} : memref<25x16xf32, #tpu.memory_space<vmem>>, vector<1x16xf32>,
    %get3A_162 = vector.shape_cast %get3A_161 : vector<1x16xf32> to vector<16xf32>
    %slice3A_163 = vector.extract_strided_slice %get3A_162 {offsets = [0], sizes = [1], strides = [1]} : vector<16xf32> to vector<1xf32>
    %squeeze3A_164 = vector.extract %slice3A_163[0] : f32 from vector<1xf32>
    %get3A_165 = arith.constant 13 : i32
    %get3A_166 = arith.index_cast %get3A_165 : i32 to index
    %get3A_167 = arith.constant 0 : index
    %get3A_168 = tpu.vector_load %arg6[%get3A_166, %get3A_167] {strides = array<i32>} : memref<25x16xf32, #tpu.memory_space<vmem>>, vector<1x16xf32>,
    %get3A_169 = vector.shape_cast %get3A_168 : vector<1x16xf32> to vector<16xf32>
    %slice3A_170 = vector.extract_strided_slice %get3A_169 {offsets = [0], sizes = [1], strides = [1]} : vector<16xf32> to vector<1xf32>
    %squeeze3A_171 = vector.extract %slice3A_170[0] : f32 from vector<1xf32>
    %get3A_172 = arith.constant 14 : i32
    %get3A_173 = arith.index_cast %get3A_172 : i32 to index
    %get3A_174 = arith.constant 0 : index
    %get3A_175 = tpu.vector_load %arg6[%get3A_173, %get3A_174] {strides = array<i32>} : memref<25x16xf32, #tpu.memory_space<vmem>>, vector<1x16xf32>,
    %get3A_176 = vector.shape_cast %get3A_175 : vector<1x16xf32> to vector<16xf32>
    %slice3A_177 = vector.extract_strided_slice %get3A_176 {offsets = [0], sizes = [1], strides = [1]} : vector<16xf32> to vector<1xf32>
    %squeeze3A_178 = vector.extract %slice3A_177[0] : f32 from vector<1xf32>
    %get3A_179 = arith.constant 15 : i32
    %get3A_180 = arith.index_cast %get3A_179 : i32 to index
    %get3A_181 = arith.constant 0 : index
    %get3A_182 = tpu.vector_load %arg6[%get3A_180, %get3A_181] {strides = array<i32>} : memref<25x16xf32, #tpu.memory_space<vmem>>, vector<1x16xf32>,
    %get3A_183 = vector.shape_cast %get3A_182 : vector<1x16xf32> to vector<16xf32>
    %slice3A_184 = vector.extract_strided_slice %get3A_183 {offsets = [0], sizes = [1], strides = [1]} : vector<16xf32> to vector<1xf32>
    %squeeze3A_185 = vector.extract %slice3A_184[0] : f32 from vector<1xf32>
    %get3A_186 = arith.constant 16 : i32
    %get3A_187 = arith.index_cast %get3A_186 : i32 to index
    %get3A_188 = arith.constant 0 : index
    %get3A_189 = tpu.vector_load %arg6[%get3A_187, %get3A_188] {strides = array<i32>} : memref<25x16xf32, #tpu.memory_space<vmem>>, vector<1x16xf32>,
    %get3A_190 = vector.shape_cast %get3A_189 : vector<1x16xf32> to vector<16xf32>
    %slice3A_191 = vector.extract_strided_slice %get3A_190 {offsets = [0], sizes = [1], strides = [1]} : vector<16xf32> to vector<1xf32>
    %squeeze3A_192 = vector.extract %slice3A_191[0] : f32 from vector<1xf32>
    %get3A_193 = arith.constant 17 : i32
    %get3A_194 = arith.index_cast %get3A_193 : i32 to index
    %get3A_195 = arith.constant 0 : index
    %get3A_196 = tpu.vector_load %arg6[%get3A_194, %get3A_195] {strides = array<i32>} : memref<25x16xf32, #tpu.memory_space<vmem>>, vector<1x16xf32>,
    %get3A_197 = vector.shape_cast %get3A_196 : vector<1x16xf32> to vector<16xf32>
    %slice3A_198 = vector.extract_strided_slice %get3A_197 {offsets = [0], sizes = [1], strides = [1]} : vector<16xf32> to vector<1xf32>
    %squeeze3A_199 = vector.extract %slice3A_198[0] : f32 from vector<1xf32>
    %get3A_200 = arith.constant 18 : i32
    %get3A_201 = arith.index_cast %get3A_200 : i32 to index
    %get3A_202 = arith.constant 0 : index
    %get3A_203 = tpu.vector_load %arg6[%get3A_201, %get3A_202] {strides = array<i32>} : memref<25x16xf32, #tpu.memory_space<vmem>>, vector<1x16xf32>,
    %get3A_204 = vector.shape_cast %get3A_203 : vector<1x16xf32> to vector<16xf32>
    %slice3A_205 = vector.extract_strided_slice %get3A_204 {offsets = [0], sizes = [1], strides = [1]} : vector<16xf32> to vector<1xf32>
    %squeeze3A_206 = vector.extract %slice3A_205[0] : f32 from vector<1xf32>
    %get3A_207 = arith.constant 19 : i32
    %get3A_208 = arith.index_cast %get3A_207 : i32 to index
    %get3A_209 = arith.constant 0 : index
    %get3A_210 = tpu.vector_load %arg6[%get3A_208, %get3A_209] {strides = array<i32>} : memref<25x16xf32, #tpu.memory_space<vmem>>, vector<1x16xf32>,
    %get3A_211 = vector.shape_cast %get3A_210 : vector<1x16xf32> to vector<16xf32>
    %slice3A_212 = vector.extract_strided_slice %get3A_211 {offsets = [0], sizes = [1], strides = [1]} : vector<16xf32> to vector<1xf32>
    %squeeze3A_213 = vector.extract %slice3A_212[0] : f32 from vector<1xf32>
    %get3A_214 = arith.constant 20 : i32
    %get3A_215 = arith.index_cast %get3A_214 : i32 to index
    %get3A_216 = arith.constant 0 : index
    %get3A_217 = tpu.vector_load %arg6[%get3A_215, %get3A_216] {strides = array<i32>} : memref<25x16xf32, #tpu.memory_space<vmem>>, vector<1x16xf32>,
    %get3A_218 = vector.shape_cast %get3A_217 : vector<1x16xf32> to vector<16xf32>
    %slice3A_219 = vector.extract_strided_slice %get3A_218 {offsets = [0], sizes = [1], strides = [1]} : vector<16xf32> to vector<1xf32>
    %squeeze3A_220 = vector.extract %slice3A_219[0] : f32 from vector<1xf32>
    %get3A_221 = arith.constant 21 : i32
    %get3A_222 = arith.index_cast %get3A_221 : i32 to index
    %get3A_223 = arith.constant 0 : index
    %get3A_224 = tpu.vector_load %arg6[%get3A_222, %get3A_223] {strides = array<i32>} : memref<25x16xf32, #tpu.memory_space<vmem>>, vector<1x16xf32>,
    %get3A_225 = vector.shape_cast %get3A_224 : vector<1x16xf32> to vector<16xf32>
    %slice3A_226 = vector.extract_strided_slice %get3A_225 {offsets = [0], sizes = [1], strides = [1]} : vector<16xf32> to vector<1xf32>
    %squeeze3A_227 = vector.extract %slice3A_226[0] : f32 from vector<1xf32>
    %get3A_228 = arith.constant 22 : i32
    %get3A_229 = arith.index_cast %get3A_228 : i32 to index
    %get3A_230 = arith.constant 0 : index
    %get3A_231 = tpu.vector_load %arg6[%get3A_229, %get3A_230] {strides = array<i32>} : memref<25x16xf32, #tpu.memory_space<vmem>>, vector<1x16xf32>,
    %get3A_232 = vector.shape_cast %get3A_231 : vector<1x16xf32> to vector<16xf32>
    %slice3A_233 = vector.extract_strided_slice %get3A_232 {offsets = [0], sizes = [1], strides = [1]} : vector<16xf32> to vector<1xf32>
    %squeeze3A_234 = vector.extract %slice3A_233[0] : f32 from vector<1xf32>
    %get3A_235 = arith.constant 23 : i32
    %get3A_236 = arith.index_cast %get3A_235 : i32 to index
    %get3A_237 = arith.constant 0 : index
    %get3A_238 = tpu.vector_load %arg6[%get3A_236, %get3A_237] {strides = array<i32>} : memref<25x16xf32, #tpu.memory_space<vmem>>, vector<1x16xf32>,
    %get3A_239 = vector.shape_cast %get3A_238 : vector<1x16xf32> to vector<16xf32>
    %slice3A_240 = vector.extract_strided_slice %get3A_239 {offsets = [0], sizes = [1], strides = [1]} : vector<16xf32> to vector<1xf32>
    %squeeze3A_241 = vector.extract %slice3A_240[0] : f32 from vector<1xf32>
    %get3A_242 = arith.constant 24 : i32
    %get3A_243 = arith.index_cast %get3A_242 : i32 to index
    %get3A_244 = arith.constant 0 : index
    %get3A_245 = tpu.vector_load %arg6[%get3A_243, %get3A_244] {strides = array<i32>} : memref<25x16xf32, #tpu.memory_space<vmem>>, vector<1x16xf32>,
    %get3A_246 = vector.shape_cast %get3A_245 : vector<1x16xf32> to vector<16xf32>
    %slice3A_247 = vector.extract_strided_slice %get3A_246 {offsets = [0], sizes = [1], strides = [1]} : vector<16xf32> to vector<1xf32>
    %squeeze3A_248 = vector.extract %slice3A_247[0] : f32 from vector<1xf32>
    %parallel_loop3A = arith.constant 0 : i32
    %parallel_loop3A_249 = arith.constant 64 : i32
    %parallel_loop3A_250 = arith.constant 1 : i32
    scf.for %parallel_loop3A_253 = %parallel_loop3A to %parallel_loop3A_249 step %parallel_loop3A_250  : i32 {
      %parallel_loop3A_254 = arith.constant 32 : i32
      %parallel_loop3A_255 = arith.divsi %parallel_loop3A_253, %parallel_loop3A_254 : i32
      %parallel_loop3A_256 = arith.constant 0 : i32
      %parallel_loop3A_257 = arith.cmpi sgt, %parallel_loop3A_253, %parallel_loop3A_256 : i32
      %parallel_loop3A_258 = arith.extui %parallel_loop3A_257 : i1 to i32
      %parallel_loop3A_259 = arith.constant 0 : i32
      %parallel_loop3A_260 = arith.cmpi slt, %parallel_loop3A_253, %parallel_loop3A_259 : i32
      %parallel_loop3A_261 = arith.extui %parallel_loop3A_260 : i1 to i32
      %parallel_loop3A_262 = arith.subi %parallel_loop3A_258, %parallel_loop3A_261 : i32
      %parallel_loop3A_263 = arith.constant 0 : i32
      %parallel_loop3A_264 = arith.cmpi sgt, %parallel_loop3A_254, %parallel_loop3A_263 : i32
      %parallel_loop3A_265 = arith.extui %parallel_loop3A_264 : i1 to i32
      %parallel_loop3A_266 = arith.constant 0 : i32
      %parallel_loop3A_267 = arith.cmpi slt, %parallel_loop3A_254, %parallel_loop3A_266 : i32
      %parallel_loop3A_268 = arith.extui %parallel_loop3A_267 : i1 to i32
      %parallel_loop3A_269 = arith.subi %parallel_loop3A_265, %parallel_loop3A_268 : i32
      %parallel_loop3A_270 = arith.cmpi ne, %parallel_loop3A_262, %parallel_loop3A_269 : i32
      %parallel_loop3A_271 = arith.remsi %parallel_loop3A_253, %parallel_loop3A_254 : i32
      %parallel_loop3A_272 = arith.constant 0 : i32
      %parallel_loop3A_273 = arith.cmpi ne, %parallel_loop3A_271, %parallel_loop3A_272 : i32
      %parallel_loop3A_274 = arith.andi %parallel_loop3A_270, %parallel_loop3A_273 : i1
      %parallel_loop3A_275 = arith.constant 1 : i32
      %parallel_loop3A_276 = arith.subi %parallel_loop3A_255, %parallel_loop3A_275 : i32
      %parallel_loop3A_277 = arith.select %parallel_loop3A_274, %parallel_loop3A_276, %parallel_loop3A_255 : i32
      %parallel_loop3A_278 = arith.constant 32 : i32
      %parallel_loop3A_279 = arith.constant 0 : i32
      %parallel_loop3A_280 = arith.cmpi eq, %parallel_loop3A_278, %parallel_loop3A_279 : i32
      %parallel_loop3A_281 = arith.constant 1 : i32
      %parallel_loop3A_282 = arith.select %parallel_loop3A_280, %parallel_loop3A_281, %parallel_loop3A_278 : i32
      %parallel_loop3A_283 = arith.remsi %parallel_loop3A_253, %parallel_loop3A_282 : i32
      %parallel_loop3A_284 = arith.constant 0 : i32
      %parallel_loop3A_285 = arith.cmpi ne, %parallel_loop3A_283, %parallel_loop3A_284 : i32
      %parallel_loop3A_286 = arith.constant 0 : i32
      %parallel_loop3A_287 = arith.cmpi slt, %parallel_loop3A_283, %parallel_loop3A_286 : i32
      %parallel_loop3A_288 = arith.constant 0 : i32
      %parallel_loop3A_289 = arith.cmpi slt, %parallel_loop3A_282, %parallel_loop3A_288 : i32
      %parallel_loop3A_290 = arith.xori %parallel_loop3A_287, %parallel_loop3A_289 : i1
      %parallel_loop3A_291 = arith.andi %parallel_loop3A_290, %parallel_loop3A_285 : i1
      %parallel_loop3A_292 = arith.addi %parallel_loop3A_283, %parallel_loop3A_282 : i32
      %parallel_loop3A_293 = arith.select %parallel_loop3A_291, %parallel_loop3A_292, %parallel_loop3A_283 : i32
      %parallel_loop3A_294 = arith.constant 4 : i32
      %parallel_loop3A_295 = arith.addi %parallel_loop3A_277, %parallel_loop3A_294 : i32
      %parallel_loop3A_296 = arith.constant 0 : i32
      %parallel_loop3A_297 = arith.subi %parallel_loop3A_295, %parallel_loop3A_296 : i32
      %parallel_loop3A_298 = arith.constant 16 : i32
      %parallel_loop3A_299 = arith.muli %parallel_loop3A_293, %parallel_loop3A_298 : i32
      %parallel_loop3A_300 = arith.constant 8 : i32
      %parallel_loop3A_301 = arith.addi %parallel_loop3A_299, %parallel_loop3A_300 : i32
      %parallel_loop3A_302 = arith.constant 2 : i32
      %parallel_loop3A_303 = arith.addi %parallel_loop3A_301, %parallel_loop3A_302 : i32
      %parallel_loop3A_304 = arith.constant 0 : i32
      %parallel_loop3A_305 = arith.subi %parallel_loop3A_303, %parallel_loop3A_304 : i32
      %parallel_loop3A_306 = arith.index_cast %parallel_loop3A_297 : i32 to index
      %parallel_loop3A_307 = arith.index_cast %parallel_loop3A_305 : i32 to index
      %parallel_loop3A_308 = tpu.vector_load %arg5[%parallel_loop3A_306, %parallel_loop3A_307] {strides = array<i32>} : memref<6x528xf32, #tpu.memory_space<vmem>>, vector<1x16xf32>,
      %parallel_loop3A_309 = vector.shape_cast %parallel_loop3A_308 : vector<1x16xf32> to vector<16xf32>
      %parallel_loop3A_310 = vector.broadcast %squeeze3A : f32 to vector<16xf32>
      %parallel_loop3A_311 = arith.mulf %parallel_loop3A_310, %parallel_loop3A_309 : vector<16xf32>
      %parallel_loop3A_312 = arith.constant 16 : i32
      %parallel_loop3A_313 = arith.muli %parallel_loop3A_293, %parallel_loop3A_312 : i32
      %parallel_loop3A_314 = arith.constant 8 : i32
      %parallel_loop3A_315 = arith.addi %parallel_loop3A_313, %parallel_loop3A_314 : i32
      %parallel_loop3A_316 = arith.constant 2 : i32
      %parallel_loop3A_317 = arith.addi %parallel_loop3A_315, %parallel_loop3A_316 : i32
      %parallel_loop3A_318 = arith.constant 1 : i32
      %parallel_loop3A_319 = arith.subi %parallel_loop3A_317, %parallel_loop3A_318 : i32
      %parallel_loop3A_320 = arith.index_cast %parallel_loop3A_297 : i32 to index
      %parallel_loop3A_321 = arith.index_cast %parallel_loop3A_319 : i32 to index
      %parallel_loop3A_322 = tpu.vector_load %arg5[%parallel_loop3A_320, %parallel_loop3A_321] {strides = array<i32>} : memref<6x528xf32, #tpu.memory_space<vmem>>, vector<1x16xf32>,
      %parallel_loop3A_323 = vector.shape_cast %parallel_loop3A_322 : vector<1x16xf32> to vector<16xf32>
      %parallel_loop3A_324 = vector.broadcast %squeeze3A_87 : f32 to vector<16xf32>
      %parallel_loop3A_325 = arith.mulf %parallel_loop3A_324, %parallel_loop3A_323 : vector<16xf32>
      %parallel_loop3A_326 = arith.constant 16 : i32
      %parallel_loop3A_327 = arith.muli %parallel_loop3A_293, %parallel_loop3A_326 : i32
      %parallel_loop3A_328 = arith.constant 8 : i32
      %parallel_loop3A_329 = arith.addi %parallel_loop3A_327, %parallel_loop3A_328 : i32
      %parallel_loop3A_330 = arith.constant 2 : i32
      %parallel_loop3A_331 = arith.addi %parallel_loop3A_329, %parallel_loop3A_330 : i32
      %parallel_loop3A_332 = arith.constant 2 : i32
      %parallel_loop3A_333 = arith.subi %parallel_loop3A_331, %parallel_loop3A_332 : i32
      %parallel_loop3A_334 = arith.index_cast %parallel_loop3A_297 : i32 to index
      %parallel_loop3A_335 = arith.index_cast %parallel_loop3A_333 : i32 to index
      %parallel_loop3A_336 = tpu.vector_load %arg5[%parallel_loop3A_334, %parallel_loop3A_335] {strides = array<i32>} : memref<6x528xf32, #tpu.memory_space<vmem>>, vector<1x16xf32>,
      %parallel_loop3A_337 = vector.shape_cast %parallel_loop3A_336 : vector<1x16xf32> to vector<16xf32>
      %parallel_loop3A_338 = vector.broadcast %squeeze3A_94 : f32 to vector<16xf32>
      %parallel_loop3A_339 = arith.mulf %parallel_loop3A_338, %parallel_loop3A_337 : vector<16xf32>
      %parallel_loop3A_340 = arith.constant 16 : i32
      %parallel_loop3A_341 = arith.muli %parallel_loop3A_293, %parallel_loop3A_340 : i32
      %parallel_loop3A_342 = arith.constant 8 : i32
      %parallel_loop3A_343 = arith.addi %parallel_loop3A_341, %parallel_loop3A_342 : i32
      %parallel_loop3A_344 = arith.constant 2 : i32
      %parallel_loop3A_345 = arith.addi %parallel_loop3A_343, %parallel_loop3A_344 : i32
      %parallel_loop3A_346 = arith.constant 3 : i32
      %parallel_loop3A_347 = arith.subi %parallel_loop3A_345, %parallel_loop3A_346 : i32
      %parallel_loop3A_348 = arith.index_cast %parallel_loop3A_297 : i32 to index
      %parallel_loop3A_349 = arith.index_cast %parallel_loop3A_347 : i32 to index
      %parallel_loop3A_350 = tpu.vector_load %arg5[%parallel_loop3A_348, %parallel_loop3A_349] {strides = array<i32>} : memref<6x528xf32, #tpu.memory_space<vmem>>, vector<1x16xf32>,
      %parallel_loop3A_351 = vector.shape_cast %parallel_loop3A_350 : vector<1x16xf32> to vector<16xf32>
      %parallel_loop3A_352 = vector.broadcast %squeeze3A_101 : f32 to vector<16xf32>
      %parallel_loop3A_353 = arith.mulf %parallel_loop3A_352, %parallel_loop3A_351 : vector<16xf32>
      %parallel_loop3A_354 = arith.constant 16 : i32
      %parallel_loop3A_355 = arith.muli %parallel_loop3A_293, %parallel_loop3A_354 : i32
      %parallel_loop3A_356 = arith.constant 8 : i32
      %parallel_loop3A_357 = arith.addi %parallel_loop3A_355, %parallel_loop3A_356 : i32
      %parallel_loop3A_358 = arith.constant 2 : i32
      %parallel_loop3A_359 = arith.addi %parallel_loop3A_357, %parallel_loop3A_358 : i32
      %parallel_loop3A_360 = arith.constant 4 : i32
      %parallel_loop3A_361 = arith.subi %parallel_loop3A_359, %parallel_loop3A_360 : i32
      %parallel_loop3A_362 = arith.index_cast %parallel_loop3A_297 : i32 to index
      %parallel_loop3A_363 = arith.index_cast %parallel_loop3A_361 : i32 to index
      %parallel_loop3A_364 = tpu.vector_load %arg5[%parallel_loop3A_362, %parallel_loop3A_363] {strides = array<i32>} : memref<6x528xf32, #tpu.memory_space<vmem>>, vector<1x16xf32>,
      %parallel_loop3A_365 = vector.shape_cast %parallel_loop3A_364 : vector<1x16xf32> to vector<16xf32>
      %parallel_loop3A_366 = vector.broadcast %squeeze3A_108 : f32 to vector<16xf32>
      %parallel_loop3A_367 = arith.mulf %parallel_loop3A_366, %parallel_loop3A_365 : vector<16xf32>
      %parallel_loop3A_368 = arith.constant 4 : i32
      %parallel_loop3A_369 = arith.addi %parallel_loop3A_277, %parallel_loop3A_368 : i32
      %parallel_loop3A_370 = arith.constant 1 : i32
      %parallel_loop3A_371 = arith.subi %parallel_loop3A_369, %parallel_loop3A_370 : i32
      %parallel_loop3A_372 = arith.constant 16 : i32
      %parallel_loop3A_373 = arith.muli %parallel_loop3A_293, %parallel_loop3A_372 : i32
      %parallel_loop3A_374 = arith.constant 8 : i32
      %parallel_loop3A_375 = arith.addi %parallel_loop3A_373, %parallel_loop3A_374 : i32
      %parallel_loop3A_376 = arith.constant 2 : i32
      %parallel_loop3A_377 = arith.addi %parallel_loop3A_375, %parallel_loop3A_376 : i32
      %parallel_loop3A_378 = arith.constant 0 : i32
      %parallel_loop3A_379 = arith.subi %parallel_loop3A_377, %parallel_loop3A_378 : i32
      %parallel_loop3A_380 = arith.index_cast %parallel_loop3A_371 : i32 to index
      %parallel_loop3A_381 = arith.index_cast %parallel_loop3A_379 : i32 to index
      %parallel_loop3A_382 = tpu.vector_load %arg5[%parallel_loop3A_380, %parallel_loop3A_381] {strides = array<i32>} : memref<6x528xf32, #tpu.memory_space<vmem>>, vector<1x16xf32>,
      %parallel_loop3A_383 = vector.shape_cast %parallel_loop3A_382 : vector<1x16xf32> to vector<16xf32>
      %parallel_loop3A_384 = vector.broadcast %squeeze3A_115 : f32 to vector<16xf32>
      %parallel_loop3A_385 = arith.mulf %parallel_loop3A_384, %parallel_loop3A_383 : vector<16xf32>
      %parallel_loop3A_386 = arith.constant 16 : i32
      %parallel_loop3A_387 = arith.muli %parallel_loop3A_293, %parallel_loop3A_386 : i32
      %parallel_loop3A_388 = arith.constant 8 : i32
      %parallel_loop3A_389 = arith.addi %parallel_loop3A_387, %parallel_loop3A_388 : i32
      %parallel_loop3A_390 = arith.constant 2 : i32
      %parallel_loop3A_391 = arith.addi %parallel_loop3A_389, %parallel_loop3A_390 : i32
      %parallel_loop3A_392 = arith.constant 1 : i32
      %parallel_loop3A_393 = arith.subi %parallel_loop3A_391, %parallel_loop3A_392 : i32
      %parallel_loop3A_394 = arith.index_cast %parallel_loop3A_371 : i32 to index
      %parallel_loop3A_395 = arith.index_cast %parallel_loop3A_393 : i32 to index
      %parallel_loop3A_396 = tpu.vector_load %arg5[%parallel_loop3A_394, %parallel_loop3A_395] {strides = array<i32>} : memref<6x528xf32, #tpu.memory_space<vmem>>, vector<1x16xf32>,
      %parallel_loop3A_397 = vector.shape_cast %parallel_loop3A_396 : vector<1x16xf32> to vector<16xf32>
      %parallel_loop3A_398 = vector.broadcast %squeeze3A_122 : f32 to vector<16xf32>
      %parallel_loop3A_399 = arith.mulf %parallel_loop3A_398, %parallel_loop3A_397 : vector<16xf32>
      %parallel_loop3A_400 = arith.constant 16 : i32
      %parallel_loop3A_401 = arith.muli %parallel_loop3A_293, %parallel_loop3A_400 : i32
      %parallel_loop3A_402 = arith.constant 8 : i32
      %parallel_loop3A_403 = arith.addi %parallel_loop3A_401, %parallel_loop3A_402 : i32
      %parallel_loop3A_404 = arith.constant 2 : i32
      %parallel_loop3A_405 = arith.addi %parallel_loop3A_403, %parallel_loop3A_404 : i32
      %parallel_loop3A_406 = arith.constant 2 : i32
      %parallel_loop3A_407 = arith.subi %parallel_loop3A_405, %parallel_loop3A_406 : i32
      %parallel_loop3A_408 = arith.index_cast %parallel_loop3A_371 : i32 to index
      %parallel_loop3A_409 = arith.index_cast %parallel_loop3A_407 : i32 to index
      %parallel_loop3A_410 = tpu.vector_load %arg5[%parallel_loop3A_408, %parallel_loop3A_409] {strides = array<i32>} : memref<6x528xf32, #tpu.memory_space<vmem>>, vector<1x16xf32>,
      %parallel_loop3A_411 = vector.shape_cast %parallel_loop3A_410 : vector<1x16xf32> to vector<16xf32>
      %parallel_loop3A_412 = vector.broadcast %squeeze3A_129 : f32 to vector<16xf32>
      %parallel_loop3A_413 = arith.mulf %parallel_loop3A_412, %parallel_loop3A_411 : vector<16xf32>
      %parallel_loop3A_414 = arith.constant 16 : i32
      %parallel_loop3A_415 = arith.muli %parallel_loop3A_293, %parallel_loop3A_414 : i32
      %parallel_loop3A_416 = arith.constant 8 : i32
      %parallel_loop3A_417 = arith.addi %parallel_loop3A_415, %parallel_loop3A_416 : i32
      %parallel_loop3A_418 = arith.constant 2 : i32
      %parallel_loop3A_419 = arith.addi %parallel_loop3A_417, %parallel_loop3A_418 : i32
      %parallel_loop3A_420 = arith.constant 3 : i32
      %parallel_loop3A_421 = arith.subi %parallel_loop3A_419, %parallel_loop3A_420 : i32
      %parallel_loop3A_422 = arith.index_cast %parallel_loop3A_371 : i32 to index
      %parallel_loop3A_423 = arith.index_cast %parallel_loop3A_421 : i32 to index
      %parallel_loop3A_424 = tpu.vector_load %arg5[%parallel_loop3A_422, %parallel_loop3A_423] {strides = array<i32>} : memref<6x528xf32, #tpu.memory_space<vmem>>, vector<1x16xf32>,
      %parallel_loop3A_425 = vector.shape_cast %parallel_loop3A_424 : vector<1x16xf32> to vector<16xf32>
      %parallel_loop3A_426 = vector.broadcast %squeeze3A_136 : f32 to vector<16xf32>
      %parallel_loop3A_427 = arith.mulf %parallel_loop3A_426, %parallel_loop3A_425 : vector<16xf32>
      %parallel_loop3A_428 = arith.constant 16 : i32
      %parallel_loop3A_429 = arith.muli %parallel_loop3A_293, %parallel_loop3A_428 : i32
      %parallel_loop3A_430 = arith.constant 8 : i32
      %parallel_loop3A_431 = arith.addi %parallel_loop3A_429, %parallel_loop3A_430 : i32
      %parallel_loop3A_432 = arith.constant 2 : i32
      %parallel_loop3A_433 = arith.addi %parallel_loop3A_431, %parallel_loop3A_432 : i32
      %parallel_loop3A_434 = arith.constant 4 : i32
      %parallel_loop3A_435 = arith.subi %parallel_loop3A_433, %parallel_loop3A_434 : i32
      %parallel_loop3A_436 = arith.index_cast %parallel_loop3A_371 : i32 to index
      %parallel_loop3A_437 = arith.index_cast %parallel_loop3A_435 : i32 to index
      %parallel_loop3A_438 = tpu.vector_load %arg5[%parallel_loop3A_436, %parallel_loop3A_437] {strides = array<i32>} : memref<6x528xf32, #tpu.memory_space<vmem>>, vector<1x16xf32>,
      %parallel_loop3A_439 = vector.shape_cast %parallel_loop3A_438 : vector<1x16xf32> to vector<16xf32>
      %parallel_loop3A_440 = vector.broadcast %squeeze3A_143 : f32 to vector<16xf32>
      %parallel_loop3A_441 = arith.mulf %parallel_loop3A_440, %parallel_loop3A_439 : vector<16xf32>
      %parallel_loop3A_442 = arith.constant 4 : i32
      %parallel_loop3A_443 = arith.addi %parallel_loop3A_277, %parallel_loop3A_442 : i32
      %parallel_loop3A_444 = arith.constant 2 : i32
      %parallel_loop3A_445 = arith.subi %parallel_loop3A_443, %parallel_loop3A_444 : i32
      %parallel_loop3A_446 = arith.constant 16 : i32
      %parallel_loop3A_447 = arith.muli %parallel_loop3A_293, %parallel_loop3A_446 : i32
      %parallel_loop3A_448 = arith.constant 8 : i32
      %parallel_loop3A_449 = arith.addi %parallel_loop3A_447, %parallel_loop3A_448 : i32
      %parallel_loop3A_450 = arith.constant 2 : i32
      %parallel_loop3A_451 = arith.addi %parallel_loop3A_449, %parallel_loop3A_450 : i32
      %parallel_loop3A_452 = arith.constant 0 : i32
      %parallel_loop3A_453 = arith.subi %parallel_loop3A_451, %parallel_loop3A_452 : i32
      %parallel_loop3A_454 = arith.index_cast %parallel_loop3A_445 : i32 to index
      %parallel_loop3A_455 = arith.index_cast %parallel_loop3A_453 : i32 to index
      %parallel_loop3A_456 = tpu.vector_load %arg5[%parallel_loop3A_454, %parallel_loop3A_455] {strides = array<i32>} : memref<6x528xf32, #tpu.memory_space<vmem>>, vector<1x16xf32>,
      %parallel_loop3A_457 = vector.shape_cast %parallel_loop3A_456 : vector<1x16xf32> to vector<16xf32>
      %parallel_loop3A_458 = vector.broadcast %squeeze3A_150 : f32 to vector<16xf32>
      %parallel_loop3A_459 = arith.mulf %parallel_loop3A_458, %parallel_loop3A_457 : vector<16xf32>
      %parallel_loop3A_460 = arith.constant 16 : i32
      %parallel_loop3A_461 = arith.muli %parallel_loop3A_293, %parallel_loop3A_460 : i32
      %parallel_loop3A_462 = arith.constant 8 : i32
      %parallel_loop3A_463 = arith.addi %parallel_loop3A_461, %parallel_loop3A_462 : i32
      %parallel_loop3A_464 = arith.constant 2 : i32
      %parallel_loop3A_465 = arith.addi %parallel_loop3A_463, %parallel_loop3A_464 : i32
      %parallel_loop3A_466 = arith.constant 1 : i32
      %parallel_loop3A_467 = arith.subi %parallel_loop3A_465, %parallel_loop3A_466 : i32
      %parallel_loop3A_468 = arith.index_cast %parallel_loop3A_445 : i32 to index
      %parallel_loop3A_469 = arith.index_cast %parallel_loop3A_467 : i32 to index
      %parallel_loop3A_470 = tpu.vector_load %arg5[%parallel_loop3A_468, %parallel_loop3A_469] {strides = array<i32>} : memref<6x528xf32, #tpu.memory_space<vmem>>, vector<1x16xf32>,
      %parallel_loop3A_471 = vector.shape_cast %parallel_loop3A_470 : vector<1x16xf32> to vector<16xf32>
      %parallel_loop3A_472 = vector.broadcast %squeeze3A_157 : f32 to vector<16xf32>
      %parallel_loop3A_473 = arith.mulf %parallel_loop3A_472, %parallel_loop3A_471 : vector<16xf32>
      %parallel_loop3A_474 = arith.constant 16 : i32
      %parallel_loop3A_475 = arith.muli %parallel_loop3A_293, %parallel_loop3A_474 : i32
      %parallel_loop3A_476 = arith.constant 8 : i32
      %parallel_loop3A_477 = arith.addi %parallel_loop3A_475, %parallel_loop3A_476 : i32
      %parallel_loop3A_478 = arith.constant 2 : i32
      %parallel_loop3A_479 = arith.addi %parallel_loop3A_477, %parallel_loop3A_478 : i32
      %parallel_loop3A_480 = arith.constant 2 : i32
      %parallel_loop3A_481 = arith.subi %parallel_loop3A_479, %parallel_loop3A_480 : i32
      %parallel_loop3A_482 = arith.index_cast %parallel_loop3A_445 : i32 to index
      %parallel_loop3A_483 = arith.index_cast %parallel_loop3A_481 : i32 to index
      %parallel_loop3A_484 = tpu.vector_load %arg5[%parallel_loop3A_482, %parallel_loop3A_483] {strides = array<i32>} : memref<6x528xf32, #tpu.memory_space<vmem>>, vector<1x16xf32>,
      %parallel_loop3A_485 = vector.shape_cast %parallel_loop3A_484 : vector<1x16xf32> to vector<16xf32>
      %parallel_loop3A_486 = vector.broadcast %squeeze3A_164 : f32 to vector<16xf32>
      %parallel_loop3A_487 = arith.mulf %parallel_loop3A_486, %parallel_loop3A_485 : vector<16xf32>
      %parallel_loop3A_488 = arith.constant 16 : i32
      %parallel_loop3A_489 = arith.muli %parallel_loop3A_293, %parallel_loop3A_488 : i32
      %parallel_loop3A_490 = arith.constant 8 : i32
      %parallel_loop3A_491 = arith.addi %parallel_loop3A_489, %parallel_loop3A_490 : i32
      %parallel_loop3A_492 = arith.constant 2 : i32
      %parallel_loop3A_493 = arith.addi %parallel_loop3A_491, %parallel_loop3A_492 : i32
      %parallel_loop3A_494 = arith.constant 3 : i32
      %parallel_loop3A_495 = arith.subi %parallel_loop3A_493, %parallel_loop3A_494 : i32
      %parallel_loop3A_496 = arith.index_cast %parallel_loop3A_445 : i32 to index
      %parallel_loop3A_497 = arith.index_cast %parallel_loop3A_495 : i32 to index
      %parallel_loop3A_498 = tpu.vector_load %arg5[%parallel_loop3A_496, %parallel_loop3A_497] {strides = array<i32>} : memref<6x528xf32, #tpu.memory_space<vmem>>, vector<1x16xf32>,
      %parallel_loop3A_499 = vector.shape_cast %parallel_loop3A_498 : vector<1x16xf32> to vector<16xf32>
      %parallel_loop3A_500 = vector.broadcast %squeeze3A_171 : f32 to vector<16xf32>
      %parallel_loop3A_501 = arith.mulf %parallel_loop3A_500, %parallel_loop3A_499 : vector<16xf32>
      %parallel_loop3A_502 = arith.constant 16 : i32
      %parallel_loop3A_503 = arith.muli %parallel_loop3A_293, %parallel_loop3A_502 : i32
      %parallel_loop3A_504 = arith.constant 8 : i32
      %parallel_loop3A_505 = arith.addi %parallel_loop3A_503, %parallel_loop3A_504 : i32
      %parallel_loop3A_506 = arith.constant 2 : i32
      %parallel_loop3A_507 = arith.addi %parallel_loop3A_505, %parallel_loop3A_506 : i32
      %parallel_loop3A_508 = arith.constant 4 : i32
      %parallel_loop3A_509 = arith.subi %parallel_loop3A_507, %parallel_loop3A_508 : i32
      %parallel_loop3A_510 = arith.index_cast %parallel_loop3A_445 : i32 to index
      %parallel_loop3A_511 = arith.index_cast %parallel_loop3A_509 : i32 to index
      %parallel_loop3A_512 = tpu.vector_load %arg5[%parallel_loop3A_510, %parallel_loop3A_511] {strides = array<i32>} : memref<6x528xf32, #tpu.memory_space<vmem>>, vector<1x16xf32>,
      %parallel_loop3A_513 = vector.shape_cast %parallel_loop3A_512 : vector<1x16xf32> to vector<16xf32>
      %parallel_loop3A_514 = vector.broadcast %squeeze3A_178 : f32 to vector<16xf32>
      %parallel_loop3A_515 = arith.mulf %parallel_loop3A_514, %parallel_loop3A_513 : vector<16xf32>
      %parallel_loop3A_516 = arith.constant 4 : i32
      %parallel_loop3A_517 = arith.addi %parallel_loop3A_277, %parallel_loop3A_516 : i32
      %parallel_loop3A_518 = arith.constant 3 : i32
      %parallel_loop3A_519 = arith.subi %parallel_loop3A_517, %parallel_loop3A_518 : i32
      %parallel_loop3A_520 = arith.constant 16 : i32
      %parallel_loop3A_521 = arith.muli %parallel_loop3A_293, %parallel_loop3A_520 : i32
      %parallel_loop3A_522 = arith.constant 8 : i32
      %parallel_loop3A_523 = arith.addi %parallel_loop3A_521, %parallel_loop3A_522 : i32
      %parallel_loop3A_524 = arith.constant 2 : i32
      %parallel_loop3A_525 = arith.addi %parallel_loop3A_523, %parallel_loop3A_524 : i32
      %parallel_loop3A_526 = arith.constant 0 : i32
      %parallel_loop3A_527 = arith.subi %parallel_loop3A_525, %parallel_loop3A_526 : i32
      %parallel_loop3A_528 = arith.index_cast %parallel_loop3A_519 : i32 to index
      %parallel_loop3A_529 = arith.index_cast %parallel_loop3A_527 : i32 to index
      %parallel_loop3A_530 = tpu.vector_load %arg5[%parallel_loop3A_528, %parallel_loop3A_529] {strides = array<i32>} : memref<6x528xf32, #tpu.memory_space<vmem>>, vector<1x16xf32>,
      %parallel_loop3A_531 = vector.shape_cast %parallel_loop3A_530 : vector<1x16xf32> to vector<16xf32>
      %parallel_loop3A_532 = vector.broadcast %squeeze3A_185 : f32 to vector<16xf32>
      %parallel_loop3A_533 = arith.mulf %parallel_loop3A_532, %parallel_loop3A_531 : vector<16xf32>
      %parallel_loop3A_534 = arith.constant 16 : i32
      %parallel_loop3A_535 = arith.muli %parallel_loop3A_293, %parallel_loop3A_534 : i32
      %parallel_loop3A_536 = arith.constant 8 : i32
      %parallel_loop3A_537 = arith.addi %parallel_loop3A_535, %parallel_loop3A_536 : i32
      %parallel_loop3A_538 = arith.constant 2 : i32
      %parallel_loop3A_539 = arith.addi %parallel_loop3A_537, %parallel_loop3A_538 : i32
      %parallel_loop3A_540 = arith.constant 1 : i32
      %parallel_loop3A_541 = arith.subi %parallel_loop3A_539, %parallel_loop3A_540 : i32
      %parallel_loop3A_542 = arith.index_cast %parallel_loop3A_519 : i32 to index
      %parallel_loop3A_543 = arith.index_cast %parallel_loop3A_541 : i32 to index
      %parallel_loop3A_544 = tpu.vector_load %arg5[%parallel_loop3A_542, %parallel_loop3A_543] {strides = array<i32>} : memref<6x528xf32, #tpu.memory_space<vmem>>, vector<1x16xf32>,
      %parallel_loop3A_545 = vector.shape_cast %parallel_loop3A_544 : vector<1x16xf32> to vector<16xf32>
      %parallel_loop3A_546 = vector.broadcast %squeeze3A_192 : f32 to vector<16xf32>
      %parallel_loop3A_547 = arith.mulf %parallel_loop3A_546, %parallel_loop3A_545 : vector<16xf32>
      %parallel_loop3A_548 = arith.constant 16 : i32
      %parallel_loop3A_549 = arith.muli %parallel_loop3A_293, %parallel_loop3A_548 : i32
      %parallel_loop3A_550 = arith.constant 8 : i32
      %parallel_loop3A_551 = arith.addi %parallel_loop3A_549, %parallel_loop3A_550 : i32
      %parallel_loop3A_552 = arith.constant 2 : i32
      %parallel_loop3A_553 = arith.addi %parallel_loop3A_551, %parallel_loop3A_552 : i32
      %parallel_loop3A_554 = arith.constant 2 : i32
      %parallel_loop3A_555 = arith.subi %parallel_loop3A_553, %parallel_loop3A_554 : i32
      %parallel_loop3A_556 = arith.index_cast %parallel_loop3A_519 : i32 to index
      %parallel_loop3A_557 = arith.index_cast %parallel_loop3A_555 : i32 to index
      %parallel_loop3A_558 = tpu.vector_load %arg5[%parallel_loop3A_556, %parallel_loop3A_557] {strides = array<i32>} : memref<6x528xf32, #tpu.memory_space<vmem>>, vector<1x16xf32>,
      %parallel_loop3A_559 = vector.shape_cast %parallel_loop3A_558 : vector<1x16xf32> to vector<16xf32>
      %parallel_loop3A_560 = vector.broadcast %squeeze3A_199 : f32 to vector<16xf32>
      %parallel_loop3A_561 = arith.mulf %parallel_loop3A_560, %parallel_loop3A_559 : vector<16xf32>
      %parallel_loop3A_562 = arith.constant 16 : i32
      %parallel_loop3A_563 = arith.muli %parallel_loop3A_293, %parallel_loop3A_562 : i32
      %parallel_loop3A_564 = arith.constant 8 : i32
      %parallel_loop3A_565 = arith.addi %parallel_loop3A_563, %parallel_loop3A_564 : i32
      %parallel_loop3A_566 = arith.constant 2 : i32
      %parallel_loop3A_567 = arith.addi %parallel_loop3A_565, %parallel_loop3A_566 : i32
      %parallel_loop3A_568 = arith.constant 3 : i32
      %parallel_loop3A_569 = arith.subi %parallel_loop3A_567, %parallel_loop3A_568 : i32
      %parallel_loop3A_570 = arith.index_cast %parallel_loop3A_519 : i32 to index
      %parallel_loop3A_571 = arith.index_cast %parallel_loop3A_569 : i32 to index
      %parallel_loop3A_572 = tpu.vector_load %arg5[%parallel_loop3A_570, %parallel_loop3A_571] {strides = array<i32>} : memref<6x528xf32, #tpu.memory_space<vmem>>, vector<1x16xf32>,
      %parallel_loop3A_573 = vector.shape_cast %parallel_loop3A_572 : vector<1x16xf32> to vector<16xf32>
      %parallel_loop3A_574 = vector.broadcast %squeeze3A_206 : f32 to vector<16xf32>
      %parallel_loop3A_575 = arith.mulf %parallel_loop3A_574, %parallel_loop3A_573 : vector<16xf32>
      %parallel_loop3A_576 = arith.constant 16 : i32
      %parallel_loop3A_577 = arith.muli %parallel_loop3A_293, %parallel_loop3A_576 : i32
      %parallel_loop3A_578 = arith.constant 8 : i32
      %parallel_loop3A_579 = arith.addi %parallel_loop3A_577, %parallel_loop3A_578 : i32
      %parallel_loop3A_580 = arith.constant 2 : i32
      %parallel_loop3A_581 = arith.addi %parallel_loop3A_579, %parallel_loop3A_580 : i32
      %parallel_loop3A_582 = arith.constant 4 : i32
      %parallel_loop3A_583 = arith.subi %parallel_loop3A_581, %parallel_loop3A_582 : i32
      %parallel_loop3A_584 = arith.index_cast %parallel_loop3A_519 : i32 to index
      %parallel_loop3A_585 = arith.index_cast %parallel_loop3A_583 : i32 to index
      %parallel_loop3A_586 = tpu.vector_load %arg5[%parallel_loop3A_584, %parallel_loop3A_585] {strides = array<i32>} : memref<6x528xf32, #tpu.memory_space<vmem>>, vector<1x16xf32>,
      %parallel_loop3A_587 = vector.shape_cast %parallel_loop3A_586 : vector<1x16xf32> to vector<16xf32>
      %parallel_loop3A_588 = vector.broadcast %squeeze3A_213 : f32 to vector<16xf32>
      %parallel_loop3A_589 = arith.mulf %parallel_loop3A_588, %parallel_loop3A_587 : vector<16xf32>
      %parallel_loop3A_590 = arith.constant 4 : i32
      %parallel_loop3A_591 = arith.addi %parallel_loop3A_277, %parallel_loop3A_590 : i32
      %parallel_loop3A_592 = arith.constant 4 : i32
      %parallel_loop3A_593 = arith.subi %parallel_loop3A_591, %parallel_loop3A_592 : i32
      %parallel_loop3A_594 = arith.constant 16 : i32
      %parallel_loop3A_595 = arith.muli %parallel_loop3A_293, %parallel_loop3A_594 : i32
      %parallel_loop3A_596 = arith.constant 8 : i32
      %parallel_loop3A_597 = arith.addi %parallel_loop3A_595, %parallel_loop3A_596 : i32
      %parallel_loop3A_598 = arith.constant 2 : i32
      %parallel_loop3A_599 = arith.addi %parallel_loop3A_597, %parallel_loop3A_598 : i32
      %parallel_loop3A_600 = arith.constant 0 : i32
      %parallel_loop3A_601 = arith.subi %parallel_loop3A_599, %parallel_loop3A_600 : i32
      %parallel_loop3A_602 = arith.index_cast %parallel_loop3A_593 : i32 to index
      %parallel_loop3A_603 = arith.index_cast %parallel_loop3A_601 : i32 to index
      %parallel_loop3A_604 = tpu.vector_load %arg5[%parallel_loop3A_602, %parallel_loop3A_603] {strides = array<i32>} : memref<6x528xf32, #tpu.memory_space<vmem>>, vector<1x16xf32>,
      %parallel_loop3A_605 = vector.shape_cast %parallel_loop3A_604 : vector<1x16xf32> to vector<16xf32>
      %parallel_loop3A_606 = vector.broadcast %squeeze3A_220 : f32 to vector<16xf32>
      %parallel_loop3A_607 = arith.mulf %parallel_loop3A_606, %parallel_loop3A_605 : vector<16xf32>
      %parallel_loop3A_608 = arith.constant 16 : i32
      %parallel_loop3A_609 = arith.muli %parallel_loop3A_293, %parallel_loop3A_608 : i32
      %parallel_loop3A_610 = arith.constant 8 : i32
      %parallel_loop3A_611 = arith.addi %parallel_loop3A_609, %parallel_loop3A_610 : i32
      %parallel_loop3A_612 = arith.constant 2 : i32
      %parallel_loop3A_613 = arith.addi %parallel_loop3A_611, %parallel_loop3A_612 : i32
      %parallel_loop3A_614 = arith.constant 1 : i32
      %parallel_loop3A_615 = arith.subi %parallel_loop3A_613, %parallel_loop3A_614 : i32
      %parallel_loop3A_616 = arith.index_cast %parallel_loop3A_593 : i32 to index
      %parallel_loop3A_617 = arith.index_cast %parallel_loop3A_615 : i32 to index
      %parallel_loop3A_618 = tpu.vector_load %arg5[%parallel_loop3A_616, %parallel_loop3A_617] {strides = array<i32>} : memref<6x528xf32, #tpu.memory_space<vmem>>, vector<1x16xf32>,
      %parallel_loop3A_619 = vector.shape_cast %parallel_loop3A_618 : vector<1x16xf32> to vector<16xf32>
      %parallel_loop3A_620 = vector.broadcast %squeeze3A_227 : f32 to vector<16xf32>
      %parallel_loop3A_621 = arith.mulf %parallel_loop3A_620, %parallel_loop3A_619 : vector<16xf32>
      %parallel_loop3A_622 = arith.constant 16 : i32
      %parallel_loop3A_623 = arith.muli %parallel_loop3A_293, %parallel_loop3A_622 : i32
      %parallel_loop3A_624 = arith.constant 8 : i32
      %parallel_loop3A_625 = arith.addi %parallel_loop3A_623, %parallel_loop3A_624 : i32
      %parallel_loop3A_626 = arith.constant 2 : i32
      %parallel_loop3A_627 = arith.addi %parallel_loop3A_625, %parallel_loop3A_626 : i32
      %parallel_loop3A_628 = arith.constant 2 : i32
      %parallel_loop3A_629 = arith.subi %parallel_loop3A_627, %parallel_loop3A_628 : i32
      %parallel_loop3A_630 = arith.index_cast %parallel_loop3A_593 : i32 to index
      %parallel_loop3A_631 = arith.index_cast %parallel_loop3A_629 : i32 to index
      %parallel_loop3A_632 = tpu.vector_load %arg5[%parallel_loop3A_630, %parallel_loop3A_631] {strides = array<i32>} : memref<6x528xf32, #tpu.memory_space<vmem>>, vector<1x16xf32>,
      %parallel_loop3A_633 = vector.shape_cast %parallel_loop3A_632 : vector<1x16xf32> to vector<16xf32>
      %parallel_loop3A_634 = vector.broadcast %squeeze3A_234 : f32 to vector<16xf32>
      %parallel_loop3A_635 = arith.mulf %parallel_loop3A_634, %parallel_loop3A_633 : vector<16xf32>
      %parallel_loop3A_636 = arith.constant 16 : i32
      %parallel_loop3A_637 = arith.muli %parallel_loop3A_293, %parallel_loop3A_636 : i32
      %parallel_loop3A_638 = arith.constant 8 : i32
      %parallel_loop3A_639 = arith.addi %parallel_loop3A_637, %parallel_loop3A_638 : i32
      %parallel_loop3A_640 = arith.constant 2 : i32
      %parallel_loop3A_641 = arith.addi %parallel_loop3A_639, %parallel_loop3A_640 : i32
      %parallel_loop3A_642 = arith.constant 3 : i32
      %parallel_loop3A_643 = arith.subi %parallel_loop3A_641, %parallel_loop3A_642 : i32
      %parallel_loop3A_644 = arith.index_cast %parallel_loop3A_593 : i32 to index
      %parallel_loop3A_645 = arith.index_cast %parallel_loop3A_643 : i32 to index
      %parallel_loop3A_646 = tpu.vector_load %arg5[%parallel_loop3A_644, %parallel_loop3A_645] {strides = array<i32>} : memref<6x528xf32, #tpu.memory_space<vmem>>, vector<1x16xf32>,
      %parallel_loop3A_647 = vector.shape_cast %parallel_loop3A_646 : vector<1x16xf32> to vector<16xf32>
      %parallel_loop3A_648 = vector.broadcast %squeeze3A_241 : f32 to vector<16xf32>
      %parallel_loop3A_649 = arith.mulf %parallel_loop3A_648, %parallel_loop3A_647 : vector<16xf32>
      %parallel_loop3A_650 = arith.constant 16 : i32
      %parallel_loop3A_651 = arith.muli %parallel_loop3A_293, %parallel_loop3A_650 : i32
      %parallel_loop3A_652 = arith.constant 8 : i32
      %parallel_loop3A_653 = arith.addi %parallel_loop3A_651, %parallel_loop3A_652 : i32
      %parallel_loop3A_654 = arith.constant 2 : i32
      %parallel_loop3A_655 = arith.addi %parallel_loop3A_653, %parallel_loop3A_654 : i32
      %parallel_loop3A_656 = arith.constant 4 : i32
      %parallel_loop3A_657 = arith.subi %parallel_loop3A_655, %parallel_loop3A_656 : i32
      %parallel_loop3A_658 = arith.index_cast %parallel_loop3A_593 : i32 to index
      %parallel_loop3A_659 = arith.index_cast %parallel_loop3A_657 : i32 to index
      %parallel_loop3A_660 = tpu.vector_load %arg5[%parallel_loop3A_658, %parallel_loop3A_659] {strides = array<i32>} : memref<6x528xf32, #tpu.memory_space<vmem>>, vector<1x16xf32>,
      %parallel_loop3A_661 = vector.shape_cast %parallel_loop3A_660 : vector<1x16xf32> to vector<16xf32>
      %parallel_loop3A_662 = vector.broadcast %squeeze3A_248 : f32 to vector<16xf32>
      %parallel_loop3A_663 = arith.mulf %parallel_loop3A_662, %parallel_loop3A_661 : vector<16xf32>
      %parallel_loop3A_664 = arith.addf %parallel_loop3A_311, %parallel_loop3A_325 : vector<16xf32>
      %parallel_loop3A_665 = arith.addf %parallel_loop3A_339, %parallel_loop3A_353 : vector<16xf32>
      %parallel_loop3A_666 = arith.addf %parallel_loop3A_367, %parallel_loop3A_385 : vector<16xf32>
      %parallel_loop3A_667 = arith.addf %parallel_loop3A_399, %parallel_loop3A_413 : vector<16xf32>
      %parallel_loop3A_668 = arith.addf %parallel_loop3A_427, %parallel_loop3A_441 : vector<16xf32>
      %parallel_loop3A_669 = arith.addf %parallel_loop3A_459, %parallel_loop3A_473 : vector<16xf32>
      %parallel_loop3A_670 = arith.addf %parallel_loop3A_487, %parallel_loop3A_501 : vector<16xf32>
      %parallel_loop3A_671 = arith.addf %parallel_loop3A_515, %parallel_loop3A_533 : vector<16xf32>
      %parallel_loop3A_672 = arith.addf %parallel_loop3A_547, %parallel_loop3A_561 : vector<16xf32>
      %parallel_loop3A_673 = arith.addf %parallel_loop3A_575, %parallel_loop3A_589 : vector<16xf32>
      %parallel_loop3A_674 = arith.addf %parallel_loop3A_607, %parallel_loop3A_621 : vector<16xf32>
      %parallel_loop3A_675 = arith.addf %parallel_loop3A_635, %parallel_loop3A_649 : vector<16xf32>
      %parallel_loop3A_676 = arith.addf %parallel_loop3A_664, %parallel_loop3A_665 : vector<16xf32>
      %parallel_loop3A_677 = arith.addf %parallel_loop3A_666, %parallel_loop3A_667 : vector<16xf32>
      %parallel_loop3A_678 = arith.addf %parallel_loop3A_668, %parallel_loop3A_669 : vector<16xf32>
      %parallel_loop3A_679 = arith.addf %parallel_loop3A_670, %parallel_loop3A_671 : vector<16xf32>
      %parallel_loop3A_680 = arith.addf %parallel_loop3A_672, %parallel_loop3A_673 : vector<16xf32>
      %parallel_loop3A_681 = arith.addf %parallel_loop3A_674, %parallel_loop3A_675 : vector<16xf32>
      %parallel_loop3A_682 = arith.addf %parallel_loop3A_676, %parallel_loop3A_677 : vector<16xf32>
      %parallel_loop3A_683 = arith.addf %parallel_loop3A_678, %parallel_loop3A_679 : vector<16xf32>
      %parallel_loop3A_684 = arith.addf %parallel_loop3A_680, %parallel_loop3A_681 : vector<16xf32>
      %parallel_loop3A_685 = arith.addf %parallel_loop3A_682, %parallel_loop3A_683 : vector<16xf32>
      %parallel_loop3A_686 = arith.addf %parallel_loop3A_684, %parallel_loop3A_663 : vector<16xf32>
      %parallel_loop3A_687 = arith.addf %parallel_loop3A_685, %parallel_loop3A_686 : vector<16xf32>
      %parallel_loop3A_688 = arith.constant 16 : i32
      %parallel_loop3A_689 = arith.muli %parallel_loop3A_293, %parallel_loop3A_688 : i32
      %parallel_loop3A_690 = arith.index_cast %parallel_loop3A_277 : i32 to index
      %parallel_loop3A_691 = arith.index_cast %parallel_loop3A_689 : i32 to index
      %parallel_loop3A_692 = tpu.vector_load %arg7[%parallel_loop3A_690, %parallel_loop3A_691] {strides = array<i32>} : memref<2x512xf32, #tpu.memory_space<vmem>>, vector<1x16xf32>,
      %parallel_loop3A_693 = vector.shape_cast %parallel_loop3A_692 : vector<1x16xf32> to vector<16xf32>
      %parallel_loop3A_694 = vector.shape_cast %parallel_loop3A_687 : vector<16xf32> to vector<1x16xf32>
      tpu.vector_store %arg7[%parallel_loop3A_690, %parallel_loop3A_691], %parallel_loop3A_694 {strides = array<i32>} : memref<2x512xf32, #tpu.memory_space<vmem>>, vector<1x16xf32>,
    } {sc.loop_unroll_factor = 4 : i64, sc.parallel_access}
    %mul3A_251 = arith.constant 2 : i32
    %mul3A_252 = arith.muli %add3A, %mul3A_251 : i32
    "tpu.region"() ({
      %run_scoped3A = tpu.sem_alloc : memref<!tpu.dma_semaphore, #tpu.memory_space<semaphore_mem>>
      %dma_start3A = arith.constant 0 : i32
      %dma_start3A_253 = tpu.memref_slice %arg4[%mul3A_252, %dma_start3A] : memref<64x512xf32, #tpu.memory_space<hbm>> -> memref<2x512xf32, #tpu.memory_space<hbm>>
      %dma_start3A_254 = arith.constant 0 : i32
      %dma_start3A_255 = tpu.memref_slice %arg4[%mul3A_252, %dma_start3A_254] : memref<64x512xf32, #tpu.memory_space<hbm>> -> memref<2x512xf32, #tpu.memory_space<hbm>>
      tpu.enqueue_dma source(%arg7 : memref<2x512xf32, #tpu.memory_space<vmem>>) target(%dma_start3A_255 : memref<2x512xf32, #tpu.memory_space<hbm>>) target_semaphore(%run_scoped3A : memref<!tpu.dma_semaphore, #tpu.memory_space<semaphore_mem>>)
      %dma_wait3A = arith.constant 0 : i32
      %dma_wait3A_256 = tpu.memref_slice %arg4[%mul3A_252, %dma_wait3A] : memref<64x512xf32, #tpu.memory_space<hbm>> -> memref<2x512xf32, #tpu.memory_space<hbm>>
      %dma_wait3A_257 = arith.constant 0 : i32
      %dma_wait3A_258 = tpu.memref_slice %arg4[%mul3A_252, %dma_wait3A_257] : memref<64x512xf32, #tpu.memory_space<hbm>> -> memref<2x512xf32, #tpu.memory_space<hbm>>
      tpu.wait_dma2 semaphore(%run_scoped3A : memref<!tpu.dma_semaphore, #tpu.memory_space<semaphore_mem>>) src(%arg7 : memref<2x512xf32, #tpu.memory_space<vmem>>) dst(%dma_wait3A_258 : memref<2x512xf32, #tpu.memory_space<hbm>>)
      tpu.yield
    }) : () -> ()
    return
  }
}

module attributes {stable_mosaic.version = 14 : i64} {
  func.func @_tc_body(%arg0: i32, %arg1: memref<5x5xf32, #tpu.memory_space<smem>>, %arg2: memref<456x512xf32, #tpu.memory_space<vmem>>, %arg3: memref<448x512xf32, #tpu.memory_space<vmem>>, %arg4: memref<5x456x512xf32, #tpu.memory_space<vmem>>) attributes {dimension_semantics = [#tpu.dimension_semantics<arbitrary>], iteration_bounds = array<i64: 1>, scalar_prefetch = 0 : i64, scratch_operands = 1 : i64, tpu.core_type = #tpu.core_type<tc>, window_params = [{transform_indices = @transform_0, window_bounds = array<i64: 5, 5>}, {transform_indices = @transform_1, window_bounds = array<i64: 456, 512>}, {pipeline_mode = #tpu.pipeline_mode<synchronous>, transform_indices = @transform_2, window_bounds = array<i64: 448, 512>}]} {
    %get3A = arith.constant 0 : index
    %get3A_0 = arith.constant 0 : index
    %get3A_1 = vector.load %arg2[%get3A, %get3A_0] : memref<456x512xf32, #tpu.memory_space<vmem>>, vector<456x512xf32>
    %broadcast_in_dim3A = arith.constant 0.000000e+00 : f32
    %broadcast_in_dim3A_2 = vector.broadcast %broadcast_in_dim3A : f32 to vector<456x2xf32>
    %slice3A = vector.extract_strided_slice %get3A_1 {offsets = [0, 0], sizes = [456, 510], strides = [1, 1]} : vector<456x512xf32> to vector<456x510xf32>
    %concatenate3A = tpu.concatenate %broadcast_in_dim3A_2, %slice3A in 1 : vector<456x2xf32>, vector<456x510xf32> -> vector<456x512xf32>
    %get3A_3 = arith.constant 0 : index
    %get3A_4 = arith.constant 4 : index
    %get3A_5 = memref.load %arg1[%get3A_3, %get3A_4] : memref<5x5xf32, #tpu.memory_space<smem>>
    %mul3A = vector.broadcast %get3A_5 : f32 to vector<456x512xf32>
    %mul3A_6 = arith.mulf %mul3A, %concatenate3A : vector<456x512xf32>
    %get3A_7 = arith.constant 1 : index
    %get3A_8 = arith.constant 4 : index
    %get3A_9 = memref.load %arg1[%get3A_7, %get3A_8] : memref<5x5xf32, #tpu.memory_space<smem>>
    %mul3A_10 = vector.broadcast %get3A_9 : f32 to vector<456x512xf32>
    %mul3A_11 = arith.mulf %mul3A_10, %concatenate3A : vector<456x512xf32>
    %get3A_12 = arith.constant 2 : index
    %get3A_13 = arith.constant 4 : index
    %get3A_14 = memref.load %arg1[%get3A_12, %get3A_13] : memref<5x5xf32, #tpu.memory_space<smem>>
    %mul3A_15 = vector.broadcast %get3A_14 : f32 to vector<456x512xf32>
    %mul3A_16 = arith.mulf %mul3A_15, %concatenate3A : vector<456x512xf32>
    %get3A_17 = arith.constant 3 : index
    %get3A_18 = arith.constant 4 : index
    %get3A_19 = memref.load %arg1[%get3A_17, %get3A_18] : memref<5x5xf32, #tpu.memory_space<smem>>
    %mul3A_20 = vector.broadcast %get3A_19 : f32 to vector<456x512xf32>
    %mul3A_21 = arith.mulf %mul3A_20, %concatenate3A : vector<456x512xf32>
    %get3A_22 = arith.constant 4 : index
    %get3A_23 = arith.constant 4 : index
    %get3A_24 = memref.load %arg1[%get3A_22, %get3A_23] : memref<5x5xf32, #tpu.memory_space<smem>>
    %mul3A_25 = vector.broadcast %get3A_24 : f32 to vector<456x512xf32>
    %mul3A_26 = arith.mulf %mul3A_25, %concatenate3A : vector<456x512xf32>
    %broadcast_in_dim3A_27 = arith.constant 0.000000e+00 : f32
    %broadcast_in_dim3A_28 = vector.broadcast %broadcast_in_dim3A_27 : f32 to vector<456x1xf32>
    %slice3A_29 = vector.extract_strided_slice %get3A_1 {offsets = [0, 0], sizes = [456, 511], strides = [1, 1]} : vector<456x512xf32> to vector<456x511xf32>
    %concatenate3A_30 = tpu.concatenate %broadcast_in_dim3A_28, %slice3A_29 in 1 : vector<456x1xf32>, vector<456x511xf32> -> vector<456x512xf32>
    %get3A_31 = arith.constant 0 : index
    %get3A_32 = arith.constant 3 : index
    %get3A_33 = memref.load %arg1[%get3A_31, %get3A_32] : memref<5x5xf32, #tpu.memory_space<smem>>
    %mul3A_34 = vector.broadcast %get3A_33 : f32 to vector<456x512xf32>
    %mul3A_35 = arith.mulf %mul3A_34, %concatenate3A_30 : vector<456x512xf32>
    %add3A = arith.addf %mul3A_6, %mul3A_35 : vector<456x512xf32>
    %get3A_36 = arith.constant 1 : index
    %get3A_37 = arith.constant 3 : index
    %get3A_38 = memref.load %arg1[%get3A_36, %get3A_37] : memref<5x5xf32, #tpu.memory_space<smem>>
    %mul3A_39 = vector.broadcast %get3A_38 : f32 to vector<456x512xf32>
    %mul3A_40 = arith.mulf %mul3A_39, %concatenate3A_30 : vector<456x512xf32>
    %add3A_41 = arith.addf %mul3A_11, %mul3A_40 : vector<456x512xf32>
    %get3A_42 = arith.constant 2 : index
    %get3A_43 = arith.constant 3 : index
    %get3A_44 = memref.load %arg1[%get3A_42, %get3A_43] : memref<5x5xf32, #tpu.memory_space<smem>>
    %mul3A_45 = vector.broadcast %get3A_44 : f32 to vector<456x512xf32>
    %mul3A_46 = arith.mulf %mul3A_45, %concatenate3A_30 : vector<456x512xf32>
    %add3A_47 = arith.addf %mul3A_16, %mul3A_46 : vector<456x512xf32>
    %get3A_48 = arith.constant 3 : index
    %get3A_49 = arith.constant 3 : index
    %get3A_50 = memref.load %arg1[%get3A_48, %get3A_49] : memref<5x5xf32, #tpu.memory_space<smem>>
    %mul3A_51 = vector.broadcast %get3A_50 : f32 to vector<456x512xf32>
    %mul3A_52 = arith.mulf %mul3A_51, %concatenate3A_30 : vector<456x512xf32>
    %add3A_53 = arith.addf %mul3A_21, %mul3A_52 : vector<456x512xf32>
    %get3A_54 = arith.constant 4 : index
    %get3A_55 = arith.constant 3 : index
    %get3A_56 = memref.load %arg1[%get3A_54, %get3A_55] : memref<5x5xf32, #tpu.memory_space<smem>>
    %mul3A_57 = vector.broadcast %get3A_56 : f32 to vector<456x512xf32>
    %mul3A_58 = arith.mulf %mul3A_57, %concatenate3A_30 : vector<456x512xf32>
    %add3A_59 = arith.addf %mul3A_26, %mul3A_58 : vector<456x512xf32>
    %get3A_60 = arith.constant 0 : index
    %get3A_61 = arith.constant 2 : index
    %get3A_62 = memref.load %arg1[%get3A_60, %get3A_61] : memref<5x5xf32, #tpu.memory_space<smem>>
    %mul3A_63 = vector.broadcast %get3A_62 : f32 to vector<456x512xf32>
    %mul3A_64 = arith.mulf %mul3A_63, %get3A_1 : vector<456x512xf32>
    %add3A_65 = arith.addf %add3A, %mul3A_64 : vector<456x512xf32>
    %get3A_66 = arith.constant 1 : index
    %get3A_67 = arith.constant 2 : index
    %get3A_68 = memref.load %arg1[%get3A_66, %get3A_67] : memref<5x5xf32, #tpu.memory_space<smem>>
    %mul3A_69 = vector.broadcast %get3A_68 : f32 to vector<456x512xf32>
    %mul3A_70 = arith.mulf %mul3A_69, %get3A_1 : vector<456x512xf32>
    %add3A_71 = arith.addf %add3A_41, %mul3A_70 : vector<456x512xf32>
    %get3A_72 = arith.constant 2 : index
    %get3A_73 = arith.constant 2 : index
    %get3A_74 = memref.load %arg1[%get3A_72, %get3A_73] : memref<5x5xf32, #tpu.memory_space<smem>>
    %mul3A_75 = vector.broadcast %get3A_74 : f32 to vector<456x512xf32>
    %mul3A_76 = arith.mulf %mul3A_75, %get3A_1 : vector<456x512xf32>
    %add3A_77 = arith.addf %add3A_47, %mul3A_76 : vector<456x512xf32>
    %get3A_78 = arith.constant 3 : index
    %get3A_79 = arith.constant 2 : index
    %get3A_80 = memref.load %arg1[%get3A_78, %get3A_79] : memref<5x5xf32, #tpu.memory_space<smem>>
    %mul3A_81 = vector.broadcast %get3A_80 : f32 to vector<456x512xf32>
    %mul3A_82 = arith.mulf %mul3A_81, %get3A_1 : vector<456x512xf32>
    %add3A_83 = arith.addf %add3A_53, %mul3A_82 : vector<456x512xf32>
    %get3A_84 = arith.constant 4 : index
    %get3A_85 = arith.constant 2 : index
    %get3A_86 = memref.load %arg1[%get3A_84, %get3A_85] : memref<5x5xf32, #tpu.memory_space<smem>>
    %mul3A_87 = vector.broadcast %get3A_86 : f32 to vector<456x512xf32>
    %mul3A_88 = arith.mulf %mul3A_87, %get3A_1 : vector<456x512xf32>
    %add3A_89 = arith.addf %add3A_59, %mul3A_88 : vector<456x512xf32>
    %slice3A_90 = vector.extract_strided_slice %get3A_1 {offsets = [0, 1], sizes = [456, 511], strides = [1, 1]} : vector<456x512xf32> to vector<456x511xf32>
    %broadcast_in_dim3A_91 = arith.constant 0.000000e+00 : f32
    %broadcast_in_dim3A_92 = vector.broadcast %broadcast_in_dim3A_91 : f32 to vector<456x1xf32>
    %concatenate3A_93 = tpu.concatenate %slice3A_90, %broadcast_in_dim3A_92 in 1 : vector<456x511xf32>, vector<456x1xf32> -> vector<456x512xf32>
    %get3A_94 = arith.constant 0 : index
    %get3A_95 = arith.constant 1 : index
    %get3A_96 = memref.load %arg1[%get3A_94, %get3A_95] : memref<5x5xf32, #tpu.memory_space<smem>>
    %mul3A_97 = vector.broadcast %get3A_96 : f32 to vector<456x512xf32>
    %mul3A_98 = arith.mulf %mul3A_97, %concatenate3A_93 : vector<456x512xf32>
    %add3A_99 = arith.addf %add3A_65, %mul3A_98 : vector<456x512xf32>
    %get3A_100 = arith.constant 1 : index
    %get3A_101 = arith.constant 1 : index
    %get3A_102 = memref.load %arg1[%get3A_100, %get3A_101] : memref<5x5xf32, #tpu.memory_space<smem>>
    %mul3A_103 = vector.broadcast %get3A_102 : f32 to vector<456x512xf32>
    %mul3A_104 = arith.mulf %mul3A_103, %concatenate3A_93 : vector<456x512xf32>
    %add3A_105 = arith.addf %add3A_71, %mul3A_104 : vector<456x512xf32>
    %get3A_106 = arith.constant 2 : index
    %get3A_107 = arith.constant 1 : index
    %get3A_108 = memref.load %arg1[%get3A_106, %get3A_107] : memref<5x5xf32, #tpu.memory_space<smem>>
    %mul3A_109 = vector.broadcast %get3A_108 : f32 to vector<456x512xf32>
    %mul3A_110 = arith.mulf %mul3A_109, %concatenate3A_93 : vector<456x512xf32>
    %add3A_111 = arith.addf %add3A_77, %mul3A_110 : vector<456x512xf32>
    %get3A_112 = arith.constant 3 : index
    %get3A_113 = arith.constant 1 : index
    %get3A_114 = memref.load %arg1[%get3A_112, %get3A_113] : memref<5x5xf32, #tpu.memory_space<smem>>
    %mul3A_115 = vector.broadcast %get3A_114 : f32 to vector<456x512xf32>
    %mul3A_116 = arith.mulf %mul3A_115, %concatenate3A_93 : vector<456x512xf32>
    %add3A_117 = arith.addf %add3A_83, %mul3A_116 : vector<456x512xf32>
    %get3A_118 = arith.constant 4 : index
    %get3A_119 = arith.constant 1 : index
    %get3A_120 = memref.load %arg1[%get3A_118, %get3A_119] : memref<5x5xf32, #tpu.memory_space<smem>>
    %mul3A_121 = vector.broadcast %get3A_120 : f32 to vector<456x512xf32>
    %mul3A_122 = arith.mulf %mul3A_121, %concatenate3A_93 : vector<456x512xf32>
    %add3A_123 = arith.addf %add3A_89, %mul3A_122 : vector<456x512xf32>
    %slice3A_124 = vector.extract_strided_slice %get3A_1 {offsets = [0, 2], sizes = [456, 510], strides = [1, 1]} : vector<456x512xf32> to vector<456x510xf32>
    %broadcast_in_dim3A_125 = arith.constant 0.000000e+00 : f32
    %broadcast_in_dim3A_126 = vector.broadcast %broadcast_in_dim3A_125 : f32 to vector<456x2xf32>
    %concatenate3A_127 = tpu.concatenate %slice3A_124, %broadcast_in_dim3A_126 in 1 : vector<456x510xf32>, vector<456x2xf32> -> vector<456x512xf32>
    %get3A_128 = arith.constant 0 : index
    %get3A_129 = arith.constant 0 : index
    %get3A_130 = memref.load %arg1[%get3A_128, %get3A_129] : memref<5x5xf32, #tpu.memory_space<smem>>
    %mul3A_131 = vector.broadcast %get3A_130 : f32 to vector<456x512xf32>
    %mul3A_132 = arith.mulf %mul3A_131, %concatenate3A_127 : vector<456x512xf32>
    %add3A_133 = arith.addf %add3A_99, %mul3A_132 : vector<456x512xf32>
    %get3A_134 = arith.constant 1 : index
    %get3A_135 = arith.constant 0 : index
    %get3A_136 = memref.load %arg1[%get3A_134, %get3A_135] : memref<5x5xf32, #tpu.memory_space<smem>>
    %mul3A_137 = vector.broadcast %get3A_136 : f32 to vector<456x512xf32>
    %mul3A_138 = arith.mulf %mul3A_137, %concatenate3A_127 : vector<456x512xf32>
    %add3A_139 = arith.addf %add3A_105, %mul3A_138 : vector<456x512xf32>
    %get3A_140 = arith.constant 2 : index
    %get3A_141 = arith.constant 0 : index
    %get3A_142 = memref.load %arg1[%get3A_140, %get3A_141] : memref<5x5xf32, #tpu.memory_space<smem>>
    %mul3A_143 = vector.broadcast %get3A_142 : f32 to vector<456x512xf32>
    %mul3A_144 = arith.mulf %mul3A_143, %concatenate3A_127 : vector<456x512xf32>
    %add3A_145 = arith.addf %add3A_111, %mul3A_144 : vector<456x512xf32>
    %get3A_146 = arith.constant 3 : index
    %get3A_147 = arith.constant 0 : index
    %get3A_148 = memref.load %arg1[%get3A_146, %get3A_147] : memref<5x5xf32, #tpu.memory_space<smem>>
    %mul3A_149 = vector.broadcast %get3A_148 : f32 to vector<456x512xf32>
    %mul3A_150 = arith.mulf %mul3A_149, %concatenate3A_127 : vector<456x512xf32>
    %add3A_151 = arith.addf %add3A_117, %mul3A_150 : vector<456x512xf32>
    %get3A_152 = arith.constant 4 : index
    %get3A_153 = arith.constant 0 : index
    %get3A_154 = memref.load %arg1[%get3A_152, %get3A_153] : memref<5x5xf32, #tpu.memory_space<smem>>
    %mul3A_155 = vector.broadcast %get3A_154 : f32 to vector<456x512xf32>
    %mul3A_156 = arith.mulf %mul3A_155, %concatenate3A_127 : vector<456x512xf32>
    %add3A_157 = arith.addf %add3A_123, %mul3A_156 : vector<456x512xf32>
    %swap3A = arith.constant 0 : index
    %swap3A_158 = arith.constant 0 : index
    %swap3A_159 = arith.constant 0 : index
    %swap3A_160 = vector.load %arg4[%swap3A, %swap3A_158, %swap3A_159] : memref<5x456x512xf32, #tpu.memory_space<vmem>>, vector<1x456x512xf32>
    %swap3A_161 = vector.shape_cast %swap3A_160 : vector<1x456x512xf32> to vector<456x512xf32>
    %swap3A_162 = vector.shape_cast %add3A_133 : vector<456x512xf32> to vector<1x456x512xf32>
    tpu.vector_store %arg4[%swap3A, %swap3A_158, %swap3A_159], %swap3A_162 {strides = array<i32>} : memref<5x456x512xf32, #tpu.memory_space<vmem>>, vector<1x456x512xf32>,
    %swap3A_163 = arith.constant 1 : index
    %swap3A_164 = arith.constant 0 : index
    %swap3A_165 = arith.constant 0 : index
    %swap3A_166 = vector.load %arg4[%swap3A_163, %swap3A_164, %swap3A_165] : memref<5x456x512xf32, #tpu.memory_space<vmem>>, vector<1x456x512xf32>
    %swap3A_167 = vector.shape_cast %swap3A_166 : vector<1x456x512xf32> to vector<456x512xf32>
    %swap3A_168 = vector.shape_cast %add3A_139 : vector<456x512xf32> to vector<1x456x512xf32>
    tpu.vector_store %arg4[%swap3A_163, %swap3A_164, %swap3A_165], %swap3A_168 {strides = array<i32>} : memref<5x456x512xf32, #tpu.memory_space<vmem>>, vector<1x456x512xf32>,
    %swap3A_169 = arith.constant 2 : index
    %swap3A_170 = arith.constant 0 : index
    %swap3A_171 = arith.constant 0 : index
    %swap3A_172 = vector.load %arg4[%swap3A_169, %swap3A_170, %swap3A_171] : memref<5x456x512xf32, #tpu.memory_space<vmem>>, vector<1x456x512xf32>
    %swap3A_173 = vector.shape_cast %swap3A_172 : vector<1x456x512xf32> to vector<456x512xf32>
    %swap3A_174 = vector.shape_cast %add3A_145 : vector<456x512xf32> to vector<1x456x512xf32>
    tpu.vector_store %arg4[%swap3A_169, %swap3A_170, %swap3A_171], %swap3A_174 {strides = array<i32>} : memref<5x456x512xf32, #tpu.memory_space<vmem>>, vector<1x456x512xf32>,
    %swap3A_175 = arith.constant 3 : index
    %swap3A_176 = arith.constant 0 : index
    %swap3A_177 = arith.constant 0 : index
    %swap3A_178 = vector.load %arg4[%swap3A_175, %swap3A_176, %swap3A_177] : memref<5x456x512xf32, #tpu.memory_space<vmem>>, vector<1x456x512xf32>
    %swap3A_179 = vector.shape_cast %swap3A_178 : vector<1x456x512xf32> to vector<456x512xf32>
    %swap3A_180 = vector.shape_cast %add3A_151 : vector<456x512xf32> to vector<1x456x512xf32>
    tpu.vector_store %arg4[%swap3A_175, %swap3A_176, %swap3A_177], %swap3A_180 {strides = array<i32>} : memref<5x456x512xf32, #tpu.memory_space<vmem>>, vector<1x456x512xf32>,
    %swap3A_181 = arith.constant 4 : index
    %swap3A_182 = arith.constant 0 : index
    %swap3A_183 = arith.constant 0 : index
    %swap3A_184 = vector.load %arg4[%swap3A_181, %swap3A_182, %swap3A_183] : memref<5x456x512xf32, #tpu.memory_space<vmem>>, vector<1x456x512xf32>
    %swap3A_185 = vector.shape_cast %swap3A_184 : vector<1x456x512xf32> to vector<456x512xf32>
    %swap3A_186 = vector.shape_cast %add3A_157 : vector<456x512xf32> to vector<1x456x512xf32>
    tpu.vector_store %arg4[%swap3A_181, %swap3A_182, %swap3A_183], %swap3A_186 {strides = array<i32>} : memref<5x456x512xf32, #tpu.memory_space<vmem>>, vector<1x456x512xf32>,
    %get3A_187 = arith.constant 0 : index
    %get3A_188 = arith.constant 4 : index
    %get3A_189 = arith.constant 0 : index
    %get3A_190 = vector.load %arg4[%get3A_187, %get3A_188, %get3A_189] : memref<5x456x512xf32, #tpu.memory_space<vmem>>, vector<1x448x512xf32>
    %get3A_191 = vector.shape_cast %get3A_190 : vector<1x448x512xf32> to vector<448x512xf32>
    %get3A_192 = arith.constant 1 : index
    %get3A_193 = arith.constant 3 : index
    %get3A_194 = arith.constant 0 : index
    %get3A_195 = vector.load %arg4[%get3A_192, %get3A_193, %get3A_194] : memref<5x456x512xf32, #tpu.memory_space<vmem>>, vector<1x448x512xf32>
    %get3A_196 = vector.shape_cast %get3A_195 : vector<1x448x512xf32> to vector<448x512xf32>
    %add3A_197 = arith.addf %get3A_191, %get3A_196 : vector<448x512xf32>
    %get3A_198 = arith.constant 2 : index
    %get3A_199 = arith.constant 2 : index
    %get3A_200 = arith.constant 0 : index
    %get3A_201 = vector.load %arg4[%get3A_198, %get3A_199, %get3A_200] : memref<5x456x512xf32, #tpu.memory_space<vmem>>, vector<1x448x512xf32>
    %get3A_202 = vector.shape_cast %get3A_201 : vector<1x448x512xf32> to vector<448x512xf32>
    %add3A_203 = arith.addf %add3A_197, %get3A_202 : vector<448x512xf32>
    %get3A_204 = arith.constant 3 : index
    %get3A_205 = arith.constant 1 : index
    %get3A_206 = arith.constant 0 : index
    %get3A_207 = vector.load %arg4[%get3A_204, %get3A_205, %get3A_206] : memref<5x456x512xf32, #tpu.memory_space<vmem>>, vector<1x448x512xf32>
    %get3A_208 = vector.shape_cast %get3A_207 : vector<1x448x512xf32> to vector<448x512xf32>
    %add3A_209 = arith.addf %add3A_203, %get3A_208 : vector<448x512xf32>
    %get3A_210 = arith.constant 4 : index
    %get3A_211 = arith.constant 0 : index
    %get3A_212 = arith.constant 0 : index
    %get3A_213 = vector.load %arg4[%get3A_210, %get3A_211, %get3A_212] : memref<5x456x512xf32, #tpu.memory_space<vmem>>, vector<1x448x512xf32>
    %get3A_214 = vector.shape_cast %get3A_213 : vector<1x448x512xf32> to vector<448x512xf32>
    %add3A_215 = arith.addf %add3A_209, %get3A_214 : vector<448x512xf32>
    %swap3A_216 = arith.constant 0 : index
    %swap3A_217 = arith.constant 0 : index
    %swap3A_218 = vector.load %arg3[%swap3A_216, %swap3A_217] : memref<448x512xf32, #tpu.memory_space<vmem>>, vector<448x512xf32>
    tpu.vector_store %arg3[%swap3A_216, %swap3A_217], %add3A_215 {strides = array<i32>} : memref<448x512xf32, #tpu.memory_space<vmem>>, vector<448x512xf32>,
    return
  }
  func.func @transform_0(%arg0: i32) -> (i32, i32) {
    %c0_i32 = arith.constant 0 : i32
    %c0_i32_0 = arith.constant 0 : i32
    %c0_i32_1 = arith.constant 0 : i32
    return %c0_i32, %c0_i32_0 : i32, i32
  }
  func.func @transform_1(%arg0: i32) -> (i32, i32) {
    %c0_i32 = arith.constant 0 : i32
    %c0_i32_0 = arith.constant 0 : i32
    %c0_i32_1 = arith.constant 0 : i32
    return %c0_i32, %c0_i32_0 : i32, i32
  }
  func.func @transform_2(%arg0: i32) -> (i32, i32) {
    %c0_i32 = arith.constant 0 : i32
    %c0_i32_0 = arith.constant 0 : i32
    %c0_i32_1 = arith.constant 0 : i32
    return %c0_i32, %c0_i32_0 : i32, i32
  }
}

</mosaic_0001>

<sc_bundles>
// kernel: _splat_hybrid.4.cloned.1.call-start
scs
__scs_entry_jumppad:
0x0: {  	(pc) =	sbr.rel $0x88, $3  }
0x1: {  	(tag) =	ssettag $0x0;
	lr =	simm.s32 $0x1  }
0x2: {  	[smem:$0x3F9E] =	sst lr;
	_ =	strace $0xD0000000  }
0x3: {  	_ = 	snop  }
0x4: {  	_ = 	snop  }
0x5: {  	_ = 	snop  }
0x6: {  	_ = 	snop  }
0x7: {  	_ = 	snop  }
__scs_overlays_trampoline_lowered:
0x8: {  	[smem:$0x3FAD] =	sst s0  }
0x9: {  	[smem:$0x3FAE] =	sst s1  }
0xa: {  	[smem:$0x3FAF] =	sst s2  }
0xb: {  	[smem:$0x3FB0] =	sst s3  }
0xc: {  	[smem:$0x3FB1] =	sst s4  }
0xd: {  	[smem:$0x3FB2] =	sst s5  }
0xe: {  	[smem:$0x3FB3] =	sst s6  }
0xf: {  	[smem:$0x3FB4] =	sst s7  }
0x10: {  	[smem:$0x3FB5] =	sst s8  }
0x11: {  	[smem:$0x3FB6] =	sst s9;
	s0 =	simm.s32 @!p0 $0x0  }
0x12: {  	s1 =	sld [smem:$0x3F9C];
	s0 =	simm.s32 @p0 $0x1  }
0x13: {  	[smem:$0x3FB7] =	sst s0;
	s0 =	simm.s32 @!p1 $0x0  }
0x14: {  	s2 =	sld [smem:$0x3F9B];
	s0 =	simm.s32 @p1 $0x1  }
0x15: {  	[smem:$0x3FB8] =	sst s0;
	s0 =	simm.s32 @!p2 $0x0  }
0x16: {  	s3 =	sld [smem:$0x3FDB];
	s0 =	simm.s32 @p2 $0x1  }
0x17: {  	s4 =	simm.s32 $0x1BF5;
	[smem:$0x3FBA] =	sst s0  }
0x18: {  	s0 =	sld [smem:$0x3F9D];
	_ =	swait.ge [sflag:s4], $0x0  }
0x19: {  	s7 =	sld [smem:$0x3F9E]  }
0x1a: {  	s8 =	sadd.s32 $0xFFFFE003, lr  }
0x1b: {  	s9 =	sadd.s32 $0xFFFFFEF7, lr;
	s5 =	simm.s32 $0xFFFFFFFF;
	p2 =	slt.u32 s8, $0xFFFFF086  }
0x1c: {  	p1 =	slt.u32 s9, $0xF7A;
	s5 =	simm.s32 @!p2 $0x0  }
0x1d: {  	s5 =	simm.s32 @p1 $0x1;
	p0 =	seq.s32 s7, s2  }
0x1e: {  	s7 =	smul.u32 @!p0 $0xF7A, s2;
	p2 =	seq.s32 @!p0 s5, $0x0  }
0x1f: {  	s9 =	smul.u32 $0xF7A, s1;
	s8 =	simm.s32 @!p0 $0x1BF5;
	p2 =	por !p2, p0  }
0x20: {  	[sflag:s8] =	ssyncset.s32 @!p0 $0xFFFFF086;
	s6 =	sadd.s32 @!p0 s3, s7;
	s7 =	simm.s32 @!p0 $0x108  }
0x21: {  	s3 =	sadd.s32 s3, s9;
	s6 =	sadd.s32 @!p0 $0x88, s6;
	s7 =	simm.s32 @p2 $0x1082  }
0x22: {  	[simem:s7], [sflag:s8] =	dma.local @!p0 [hbm:s6], $0xF7A  }
0x23: {  	s9 =	sor.u32 $0xD0000000, s2;
	s6 =	simm.s32 $0x108;
	_ =	swait.ge @!p0 [sflag:s8], $0x0  }
0x24: {  	s3 =	sadd.s32 $0x88, s3;
	s6 =	simm.s32 @!p1 $0x1082;
	[sflag:s4] =	ssyncset.s32 $0xFFFFF086  }
0x25: {  	[simem:s6], [sflag:s4] =	dma.local [hbm:s3], $0xF7A  }
0x26: {  	[smem:$0x3F9E] =	sst s1;
	(tag) =	ssettag s2;
	_ =	strace s9  }
0x27: {  	s1 =	sld [smem:$0x3FAE]  }
0x28: {  	s2 =	sld [smem:$0x3FAF]  }
0x29: {  	s4 =	sld [smem:$0x3FB1]  }
0x2a: {  	p0 =	seq.s32 s5, $0x0;
	s5 =	sld [smem:$0x3FB2]  }
0x2b: {  	s6 =	sld [smem:$0x3FB3]  }
0x2c: {  	s7 =	sld [smem:$0x3FB4]  }
0x2d: {  	s3 =	simm.s32 $0x108;
	s8 =	sld [smem:$0x3FB5]  }
0x2e: {  	s3 =	simm.s32 @!p0 $0x1082;
	s9 =	sld [smem:$0x3FB6]  }
0x2f: {  	lr =	sadd.s32 s0, s3;
	s0 =	sld [smem:$0x3FAD]  }
0x30: {  	s3 =	sld [smem:$0x3FB0]  }
0x31: {  	[smem:$0x3FB9] =	sst s10  }
0x32: {  	s10 =	sld [smem:$0x3FB7];
	_ =	sdelay $0x3  }
0x33: {  	p0 =	seq.s32 s10, $0x1;
	s10 =	sld [smem:$0x3FB9];
	_ =	sdelay $0x3  }
0x34: {  	[smem:$0x3FB9] =	sst s10  }
0x35: {  	s10 =	sld [smem:$0x3FB8];
	_ =	sdelay $0x3  }
0x36: {  	p1 =	seq.s32 s10, $0x1;
	s10 =	sld [smem:$0x3FB9];
	_ =	sdelay $0x3  }
0x37: {  	[smem:$0x3FB9] =	sst s10  }
0x38: {  	s10 =	sld [smem:$0x3FBA]  }
0x39: {  	_ = 	snop;
	(pc) =	sbr.ind lr, $3  }
0x3a: {  	_ = 	snop  }
0x3b: {  	_ = 	snop  }
0x3c: {  	p2 =	seq.s32 s10, $0x1;
	s10 =	sld [smem:$0x3FB9]  }
0x3d: {  	_ =	shalt  }
0x3e: {  	_ =	shalt  }
0x3f: {  	_ =	shalt  }
0x40: {  	_ =	shalt  }
0x41: {  	_ =	shalt  }
0x42: {  	_ =	shalt  }
0x43: {  	_ =	shalt  }
0x44: {  	_ =	shalt  }
0x45: {  	_ =	shalt  }
0x46: {  	_ =	shalt  }
0x47: {  	_ =	shalt  }
0x48: {  	_ =	shalt  }
0x49: {  	_ =	shalt  }
0x4a: {  	_ =	shalt  }
0x4b: {  	_ =	shalt  }
0x4c: {  	_ =	shalt  }
0x4d: {  	_ =	shalt  }
0x4e: {  	_ =	shalt  }
0x4f: {  	_ =	shalt  }
0x50: {  	_ =	shalt  }
0x51: {  	_ =	shalt  }
0x52: {  	_ =	shalt  }
0x53: {  	_ =	shalt  }
0x54: {  	_ =	shalt  }
0x55: {  	_ =	shalt  }
0x56: {  	_ =	shalt  }
0x57: {  	_ =	shalt  }
0x58: {  	_ =	shalt  }
0x59: {  	_ =	shalt  }
0x5a: {  	_ =	shalt  }
0x5b: {  	_ =	shalt  }
0x5c: {  	_ =	shalt  }
0x5d: {  	_ =	shalt  }
0x5e: {  	_ =	shalt  }
0x5f: {  	_ =	shalt  }
0x60: {  	_ =	shalt  }
0x61: {  	_ =	shalt  }
0x62: {  	_ =	shalt  }
0x63: {  	_ =	shalt  }
0x64: {  	_ =	shalt  }
0x65: {  	_ =	shalt  }
0x66: {  	_ =	shalt  }
0x67: {  	_ =	shalt  }
0x68: {  	_ =	shalt  }
0x69: {  	_ =	shalt  }
0x6a: {  	_ =	shalt  }
0x6b: {  	_ =	shalt  }
0x6c: {  	_ =	shalt  }
0x6d: {  	_ =	shalt  }
0x6e: {  	_ =	shalt  }
0x6f: {  	_ =	shalt  }
0x70: {  	_ =	shalt  }
0x71: {  	_ =	shalt  }
0x72: {  	_ =	shalt  }
0x73: {  	_ =	shalt  }
0x74: {  	_ =	shalt  }
0x75: {  	_ =	shalt  }
0x76: {  	_ =	shalt  }
0x77: {  	_ =	shalt  }
0x78: {  	_ =	shalt  }
0x79: {  	_ =	shalt  }
0x7a: {  	_ =	shalt  }
0x7b: {  	_ =	shalt  }
0x7c: {  	_ =	shalt  }
0x7d: {  	_ =	shalt  }
0x7e: {  	_ =	shalt  }
0x7f: {  	_ =	shalt  }
0x80: {  	_ =	shalt  }
0x81: {  	_ =	shalt  }
0x82: {  	_ =	shalt  }
0x83: {  	_ =	shalt  }
0x84: {  	_ =	shalt  }
0x85: {  	_ =	shalt  }
0x86: {  	_ =	shalt  }
0x87: {  	_ =	shalt  }
.Lfunc_end0:
.L_simem_size_0:
called_computation_lowered:
.L_overlay_start_0:
0x88: {  	s2 =	sld [smem:$0x3FD9]  }
0x89: {  	s3 =	sld [smem:$0x3FFE];
	_ =	sdelay $0x1  }
0x8a: {  	s1 =	srdreg.scid  }
0x8b: {  	s0 =	sand.u32 $0x1, s1  }
0x8c: {  	s17 =	sshll.u32 s0, $0xA;
	s2 =	sadd.s32 s3, s2  }
0x8d: {  	s2 =	sadd.s32 s2, s17  }
0x8e: {  	[smem:$0x3FC5] =	sst s2  }
0x8f: {  	_ = 	snop  }
0x90: {  	s2 =	sld [smem:$0x3FD0];
	(tm) =	ssettm $0x1  }
0x91: {  	s18 =	sld [smem:$0x3FFB];
	_ =	sdelay $0x3  }
0x92: {  	_ =	strace s18  }
0x93: {  	s3 =	sld [smem:$0x3FFC];
	_ =	sdelay $0x3  }
0x94: {  	_ =	strace s3  }
0x95: {  	s3 =	sld [smem:$0x3FFD];
	_ =	sdelay $0x3  }
0x96: {  	_ =	strace s3  }
0x97: {  	_ =	strace $0x8FFFFFFF  }
0x98: {  	s19 =	sld [smem:$0x3FDB];
	_ =	sdelay $0x1  }
0x99: {  	s4 =	simm.s32 $_scs_section_size  }
0x9a: {  	s5 =	simm.s32 $_size__tile_overlayer_lowered;
	s6 =	simm.s32 $_tile_overlayer_lowered  }
0x9b: {  	s22 =	simm.s32 $0x1BFF;
	s21 =	sshll.u32 s6, $0x1;
	s3 =	sadd.s32 s4, s19  }
0x9c: {  	s7 =	simm.s32 $0x0;
	s20 =	sshll.u32 s5, $0x1;
	s5 =	sadd.s32 s21, s3  }
0x9d: {  	[timem:s7], [sflag:s22] =	dma.local [hbm:s5], s20  }
0x9e: {  	_ =	swait.ge [sflag:s22], s20  }
0x9f: {  	s4 =	ssub.s32 $0x0, s20;
	[sflag:s22] =	ssyncset.done $0x0  }
0xa0: {  	[sflag:s22] =	ssyncadd.s32 s4;
	_ =	sdelay $0x1  }
0xa1: {  	s23 =	simm.s32 $0x1B8B  }
0xa2: {  	_ =	swait.ge [sflag:s23], $0x1  }
0xa3: {  	[sflag:s23] =	ssyncset.done $0x0  }
0xa4: {  	s25 =	simm.s32 $0x1B8E;
	s24 =	sld [smem:$0x3FFE];
	[sflag:s23] =	ssyncadd.s32 $0xFFFFFFFF  }
0xa5: {  	s26 =	simm.s32 $execute0_lowered;
	[smem:$0x3FD2] =	sst s25  }
0xa6: {  	s5 =	sshll.u32 s26, $0x1;
	_ =	strace $0x80000046;
	[dreg:$0x1] =	wrdreg $0xFFFFFFFF  }
0xa7: {  	s28 =	simm.s32 $_size_execute0_lowered;
	s3 =	sadd.s32 s3, s5;
	[dreg:$0x0] =	wrdreg $0x0  }
0xa8: {  	s5 =	sshll.u32 s28, $0x1;
	[dreg:$0x2] =	wrdreg s3  }
0xa9: {  	[dreg:$0x3] =	wrdreg s5  }
0xaa: {  	[dreg:$0x4] =	wrdreg $0xC0  }
0xab: {  	_ =	task [dreg:s7], $0x5FFFF  }
0xac: {  	[dreg:$0x1] =	wrdreg $0xFFFFFFFF  }
0xad: {  	[dreg:$0x0] =	wrdreg $0x60  }
0xae: {  	[dreg:$0x2] =	wrdreg s24  }
0xaf: {  	[dreg:$0x3] =	wrdreg s2  }
0xb0: {  	[dreg:$0x4] =	wrdreg $0x9  }
0xb1: {  	_ =	task.clear_ibuf [dreg:s7], $0x5FFFF;
	_ =	strace $0x90000046  }
0xb2: {  	s29 =	simm.s32 $0x9;
	_ =	strace $0x80000048  }
0xb3: {  	_ =	swait.ge [sflag:s29], $0x1  }
0xb4: {  	[sflag:s29] =	ssyncadd.s32 $0xFFFFFFFF  }
0xb5: {  	_ =	strace $0x90000048  }
0xb6: {  	_ =	sfence  }
0xb7: {  	s30 =	sld [smem:$0x0];
	_ =	sdelay $0x2  }
0xb8: {  	s31 =	sshll.u32 s1, $0xD;
	s1 =	sshrl.u32 s1, $0x2  }
0xb9: {  	s3 =	sand.u32 $0x4000, s31;
	s1 =	sadd.s32 s1, s30  }
0xba: {  	s0 =	sor.u32 s3, s0;
	s1 =	sshll.u32 s1, $0x11  }
0xbb: {  	s0 =	sor.u32 s1, s0  }
0xbc: {  	s0 =	sadd.s32 $0x8F2B, s0  }
0xbd: {  	[sflag:s0] =	ssyncadd.remote.s32 $0x1  }
0xbe: {  	_ =	sfence.sel $0xFFFF  }
0xbf: {  	[dreg:$0x0] =	wrdreg $0xFFFFFFFF;
	(pc) =	sbr.abs _section_cstart, $3  }
0xc0: {  	[dreg:$0x1] =	wrdreg $0xFFFFFFFF  }
0xc1: {  	_ =	task.clear_ibuf [dreg:s7], $0x2FFFF;
	_ =	strace $0x9FFFFFFF  }
0xc2: {  	(tm) =	ssettm $0x7FFFFFFF  }
0xc3: {  	_ =	shalt  }
tec
execute0_lowered:
.L_overlay_start_1:
0x0: {  	(tag) =	ssettag $0x1  }
0x1: {  	s0 =	rddreg [dreg:$0x0];
	s2 =	srdreg.scid  }
0x2: {  	s1 =	rddreg [dreg:$0x1];
	s3 =	stileid.u32;
	s2 =	sand.u32 $0x1, s2  }
0x3: {  	s6 =	simm.s32 $0x0;
	s3 =	sshll.u32 s3, $0x8;
	s4 =	sshll.u32 s2, $0x7  }
0x4: {  	[smem:$0x7FF] =	sst s6;
	s2 =	ssub.s32 $0x2, s2;
	s3 =	sor.u32 s4, s3  }
0x5: {  	_ =	strace $0x80000047;
	s5 =	sadd.s32 s3, s0;
	s0 =	sadd.s32 $0x8A00, s0  }
0x6: {  	s23 =	sshrl.u32 s2, $0x1;
	s1 =	sadd.s32 s1, s3;
	[dreg:$0xc] =	wrdreg s0  }
0x7: {  	s24 =	ssub.s32 s2, s23;
	s25 =	sadd.s32 $0x7800, s5;
	[dreg:$0xe] =	wrdreg s1  }
0x8: {  	s0 =	smax.u32 s24, $0x1;
	[dreg:$0xd] =	wrdreg s25  }
0x9: {  	s26 =	sadd.s32 $0x7840, s5;
	[dreg:$0xf] =	wrdreg s0  }
0xa: {  	s28 =	sadd.s32 $0x7880, s5;
	[dreg:$0x10] =	wrdreg s26  }
0xb: {  	s29 =	sadd.s32 $0x78C0, s5;
	[dreg:$0x11] =	wrdreg s28  }
0xc: {  	s30 =	sadd.s32 $0x7900, s5;
	[dreg:$0x12] =	wrdreg s29  }
0xd: {  	s31 =	sadd.s32 $0x7940, s5;
	[dreg:$0x13] =	wrdreg s30  }
0xe: {  	v0 =	vimm.f32 $0.0e+00;
	s2 =	simm.s32 $0x1;
	s1 =	simm.s32 $0x0;
	[dreg:$0x14] =	wrdreg s31  }
.LBB2_1:
0xf: {  	[tilespmem:$0x0] =	vst v0  }
0x10: {  	[tilespmem:$0x200] =	vst v0  }
0x11: {  	[tilespmem:$0x210] =	vst v0  }
0x12: {  	[tilespmem:$0x410] =	vst v0  }
0x13: {  	[tilespmem:$0x420] =	vst v0  }
0x14: {  	[tilespmem:$0x620] =	vst v0  }
0x15: {  	[tilespmem:$0x630] =	vst v0  }
0x16: {  	[tilespmem:$0x830] =	vst v0  }
0x17: {  	[tilespmem:$0x840] =	vst v0  }
0x18: {  	[tilespmem:$0xA40] =	vst v0  }
0x19: {  	[dreg:$0x15] =	wrdreg s1;
	[tilespmem:$0xA50] =	vst v0  }
0x1a: {  	[tilespmem:$0xC50] =	vst v0;
	s0 =	rddreg [dreg:$0xd];
	s26 =	simm.s32 $0x8  }
0x1b: {  	[tilespmem:s26], [sflag:$0x1] =	stream.linear.gather [hbm4b:s0+s6], $0x200, $0x38;
	[tilespmem:$0x11F0] =	vst v63  }
0x1c: {  	s28 =	rddreg [dreg:$0x10];
	s29 =	simm.s32 $0x218  }
0x1d: {  	[tilespmem:s29], [sflag:$0x1] =	stream.linear.gather [hbm4b:s28+s6], $0x200, $0x38;
	[tilespmem:$0x11F0] =	vst v63  }
0x1e: {  	s30 =	rddreg [dreg:$0x11];
	s31 =	simm.s32 $0x428  }
0x1f: {  	[tilespmem:s31], [sflag:$0x1] =	stream.linear.gather [hbm4b:s30+s6], $0x200, $0x38;
	[tilespmem:$0x11F0] =	vst v63  }
0x20: {  	s3 =	rddreg [dreg:$0x12];
	s4 =	simm.s32 $0x638  }
0x21: {  	[tilespmem:s4], [sflag:$0x1] =	stream.linear.gather [hbm4b:s3+s6], $0x200, $0x38;
	[tilespmem:$0x11F0] =	vst v63  }
0x22: {  	s5 =	rddreg [dreg:$0x13];
	s7 =	simm.s32 $0x848  }
0x23: {  	[tilespmem:s7], [sflag:$0x1] =	stream.linear.gather [hbm4b:s5+s6], $0x200, $0x38;
	[tilespmem:$0x11F0] =	vst v63  }
0x24: {  	s8 =	rddreg [dreg:$0x14];
	s9 =	simm.s32 $0xA58  }
0x25: {  	[tilespmem:s9], [sflag:$0x1] =	stream.linear.gather [hbm4b:s8+s6], $0x200, $0x38;
	[tilespmem:$0x11F0] =	vst v63  }
0x26: {  	_ =	swait.ge [sflag:s2], $0xC00  }
0x27: {  	[sflag:s2] =	ssyncset.done $0x0  }
0x28: {  	s11 =	simm.s32 $0xC60;
	s10 =	rddreg [dreg:$0xc];
	[sflag:s2] =	ssyncadd.s32 $0xFFFFF400  }
0x29: {  	[tilespmem:s11], [sflag:$0x1] =	stream.linear.gather [hbm4b:s10+s6], $0x190, $0x38;
	[tilespmem:$0x11F0] =	vst v63  }
0x2a: {  	_ =	swait.ge [sflag:s2], $0x190  }
0x2b: {  	[sflag:s2] =	ssyncset.done $0x0  }
0x2c: {  	[sflag:s2] =	ssyncadd.s32 $0xFFFFFE70  }
0x2d: {  	v1 =	vld.msk [tilespmem:$0xC60 ss:$0x0], $0xffff  }
0x2e: {  	v3 =	vld.msk [tilespmem:$0xC70 ss:$0x0], $0xffff  }
0x2f: {  	v4 =	vld.msk [tilespmem:$0xC80 ss:$0x0], $0xffff  }
0x30: {  	v5 =	vld.msk [tilespmem:$0xC90 ss:$0x0], $0xffff  }
0x31: {  	v6 =	vld.msk [tilespmem:$0xCA0 ss:$0x0], $0xffff  }
0x32: {  	v7 =	vld.msk [tilespmem:$0xCB0 ss:$0x0], $0xffff  }
0x33: {  	v8 =	vld.msk [tilespmem:$0xCC0 ss:$0x0], $0xffff  }
0x34: {  	v9 =	vld.msk [tilespmem:$0xCD0 ss:$0x0], $0xffff  }
0x35: {  	v10 =	vld.msk [tilespmem:$0xCE0 ss:$0x0], $0xffff  }
0x36: {  	v11 =	vld.msk [tilespmem:$0xCF0 ss:$0x0], $0xffff  }
0x37: {  	v13 =	vld.msk [tilespmem:$0xD00 ss:$0x0], $0xffff  }
0x38: {  	v16 =	vld.msk [tilespmem:$0xD10 ss:$0x0], $0xffff  }
0x39: {  	v18 =	vld.msk [tilespmem:$0xD20 ss:$0x0], $0xffff  }
0x3a: {  	v19 =	vld.msk [tilespmem:$0xD30 ss:$0x0], $0xffff  }
0x3b: {  	v20 =	vld.msk [tilespmem:$0xD40 ss:$0x0], $0xffff  }
0x3c: {  	v21 =	vld.msk [tilespmem:$0xD50 ss:$0x0], $0xffff  }
0x3d: {  	v22 =	vld.msk [tilespmem:$0xD60 ss:$0x0], $0xffff  }
0x3e: {  	v23 =	vld.msk [tilespmem:$0xD70 ss:$0x0], $0xffff  }
0x3f: {  	v24 =	vld.msk [tilespmem:$0xD80 ss:$0x0], $0xffff  }
0x40: {  	v25 =	vld.msk [tilespmem:$0xD90 ss:$0x0], $0xffff  }
0x41: {  	s12 =	simm.s32 $0x0;
	v17 =	vld.msk [tilespmem:$0xDA0 ss:$0x0], $0xffff  }
0x42: {  	s13 =	smul.u32 $0x840, s12;
	v14 =	vld.msk [tilespmem:$0xDB0 ss:$0x0], $0xffff  }
0x43: {  	s0 =	sand.u32 $0x1C0, s6;
	v12 =	vld.msk [tilespmem:$0xDC0 ss:$0x0], $0xffff  }
0x44: {  	s14 =	sor.u32 $0x38, s0;
	s1 =	sshra.s32 s13, $0x2;
	v15 =	vld.msk [tilespmem:$0xDD0 ss:$0x0], $0xffff  }
0x45: {  	s3 =	sadd.s32 s14, s1;
	v2 =	vld.msk [tilespmem:$0xDE0 ss:$0x0], $0xffff  }
0x46: {  	v26 =	vld [tilespmem:s3+$0x2]  }
0x47: {  	s24 =	sor.u32 $0x30, s0;
	v27 =	vld [tilespmem:s3+$0x1]  }
0x48: {  	s7 =	sadd.s32 s24, s1;
	s6 =	sadd.s32 $0x840, s1;
	v28 =	vld [tilespmem:s3+$0x0]  }
0x49: {  	s15 =	sadd.s32 s14, s6;
	v29 =	vld [tilespmem:s7+$0x7]  }
0x4a: {  	v30 =	vld [tilespmem:s15+$0x2]  }
0x4b: {  	v31 =	vld [tilespmem:s15+$0x1]  }
0x4c: {  	s16 =	sadd.s32 s24, s6;
	v32 =	vld [tilespmem:s15+$0x0]  }
0x4d: {  	s5 =	sadd.s32 $0x630, s1;
	v33 =	vld [tilespmem:s16+$0x7]  }
0x4e: {  	s17 =	sadd.s32 s14, s5;
	v34 =	vld [tilespmem:s16+$0x6]  }
0x4f: {  	v35 =	vld [tilespmem:s17+$0x2]  }
0x50: {  	v36 =	vld [tilespmem:s17+$0x1]  }
0x51: {  	s18 =	sadd.s32 s24, s5;
	v37 =	vld [tilespmem:s17+$0x0]  }
0x52: {  	s4 =	sadd.s32 $0x420, s1;
	v38 =	vld [tilespmem:s18+$0x7]  }
0x53: {  	s19 =	sadd.s32 s14, s4;
	v39 =	vld [tilespmem:s18+$0x6]  }
0x54: {  	v40 =	vld [tilespmem:s19+$0x2]  }
0x55: {  	v41 =	vld [tilespmem:s19+$0x1]  }
0x56: {  	s20 =	sadd.s32 s24, s4;
	v42 =	vld [tilespmem:s19+$0x0]  }
0x57: {  	s12 =	sadd.s32 $0x210, s1;
	v43 =	vld [tilespmem:s20+$0x7]  }
0x58: {  	s2 =	sadd.s32 s14, s12;
	v44 =	vld [tilespmem:s20+$0x6]  }
0x59: {  	v45 =	vld [tilespmem:s2+$0x2]  }
0x5a: {  	v46 =	vld [tilespmem:s2+$0x1]  }
0x5b: {  	s21 =	sadd.s32 s24, s12;
	v47 =	vld [tilespmem:s2+$0x0]  }
0x5c: {  	v48 =	vld [tilespmem:s21+$0x7]  }
0x5d: {  	s22 =	sadd.s32 s0, s6;
	v49 =	vld [tilespmem:s21+$0x6]  }
0x5e: {  	v53 =	vld [tilespmem:s22+$0x7]  }
0x5f: {  	v54 =	vld [tilespmem:s22+$0x6]  }
0x60: {  	s25 =	sadd.s32 s0, s5;
	v56 =	vld [tilespmem:s7+$0x6]  }
0x61: {  	s3 =	sor.u32 $0x8, s0;
	v59 =	vld [tilespmem:s25+$0x7]  }
0x62: {  	v60 =	vld [tilespmem:s25+$0x6];
	s8 =	sadd.s32 s3, s6  }
0x63: {  	v50 =	vld [tilespmem:s8+$0x2]  }
0x64: {  	v51 =	vld [tilespmem:s8+$0x1]  }
0x65: {  	s23 =	sadd.s32 s3, s5;
	v52 =	vld [tilespmem:s8+$0x0]  }
0x66: {  	v55 =	vld [tilespmem:s23+$0x2];
	v26 =	vmul.f32 v26, v17;
	v27 =	vmul.f32 v27, v14  }
0x67: {  	v57 =	vld [tilespmem:s23+$0x1];
	v28 =	vmul.f32 v28, v12;
	v29 =	vmul.f32 v29, v15  }
0x68: {  	s26 =	sadd.s32 s3, s4;
	v58 =	vld [tilespmem:s23+$0x0];
	v30 =	vmul.f32 v30, v1;
	v31 =	vmul.f32 v31, v3  }
0x69: {  	v32 =	vmul.f32 v32, v4;
	v33 =	vmul.f32 v33, v5;
	v26 =	vadd.f32 v27, v26;
	v27 =	vld [tilespmem:s26+$0x2]  }
0x6a: {  	v34 =	vmul.f32 v34, v6;
	v35 =	vmul.f32 v35, v7;
	v28 =	vadd.f32 v29, v28;
	v29 =	vld [tilespmem:s26+$0x1]  }
0x6b: {  	s28 =	sadd.s32 s0, s4;
	v36 =	vmul.f32 v36, v8;
	v37 =	vmul.f32 v37, v9;
	v30 =	vadd.f32 v31, v30;
	v31 =	vld [tilespmem:s26+$0x0]  }
0x6c: {  	v38 =	vmul.f32 v38, v10;
	v39 =	vmul.f32 v39, v11;
	v32 =	vadd.f32 v33, v32;
	v33 =	vld [tilespmem:s28+$0x7]  }
0x6d: {  	s29 =	sadd.s32 s3, s12;
	v40 =	vmul.f32 v40, v13;
	v41 =	vmul.f32 v41, v16;
	v34 =	vadd.f32 v35, v34;
	v35 =	vld [tilespmem:s28+$0x6]  }
0x6e: {  	v42 =	vmul.f32 v42, v18;
	v43 =	vmul.f32 v43, v19;
	v36 =	vadd.f32 v37, v36;
	v37 =	vld [tilespmem:s29+$0x2]  }
0x6f: {  	v44 =	vmul.f32 v44, v20;
	v45 =	vmul.f32 v45, v21;
	v38 =	vadd.f32 v39, v38;
	v39 =	vld [tilespmem:s29+$0x1]  }
0x70: {  	s30 =	sadd.s32 s0, s12;
	v46 =	vmul.f32 v46, v22;
	v47 =	vmul.f32 v47, v23;
	v40 =	vadd.f32 v41, v40;
	v41 =	vld [tilespmem:s29+$0x0]  }
0x71: {  	s13 =	sor.u32 $0x10, s0;
	v48 =	vmul.f32 v48, v24;
	v49 =	vmul.f32 v49, v25;
	v42 =	vadd.f32 v43, v42;
	v43 =	vld [tilespmem:s30+$0x7]  }
0x72: {  	s31 =	sor.u32 $0x18, s0;
	s9 =	sadd.s32 s13, s6;
	v44 =	vadd.f32 v45, v44;
	v45 =	vadd.f32 v47, v46;
	v46 =	vld [tilespmem:s30+$0x6]  }
0x73: {  	s14 =	sadd.s32 s31, s5;
	v63 =	vadd.f32 v49, v48;
	v48 =	vld [tilespmem:s9+$0x6]  }
0x74: {  	v47 =	vmul.f32 v52, v4;
	v52 =	vld [tilespmem:s14+$0x2]  }
0x75: {  	s16 =	sadd.s32 s31, s4;
	v49 =	vld [tilespmem:s14+$0x0]  }
0x76: {  	s11 =	sadd.s32 s31, s6;
	v62 =	vmul.f32 v51, v3;
	v51 =	vld [tilespmem:s16+$0x2]  }
0x77: {  	v30 =	vadd.f32 v32, v30;
	v32 =	vld [tilespmem:s11+$0x2]  }
0x78: {  	v26 =	vadd.f32 v28, v26;
	v28 =	vadd.f32 v36, v34;
	v34 =	vld [tilespmem:s11+$0x1]  }
0x79: {  	v61 =	vmul.f32 v50, v1;
	v38 =	vadd.f32 v40, v38;
	v40 =	vld [tilespmem:s11+$0x0]  }
0x7a: {  	s15 =	sadd.s32 s13, s5;
	s19 =	sor.u32 $0x28, s0;
	v42 =	vadd.f32 v44, v42;
	v44 =	vadd.f32 v63, v45;
	v45 =	vld [tilespmem:s9+$0x7];
	v63 =	vmul.f32 v53, v5  }
0x7b: {  	v36 =	vadd.f32 v62, v61;
	v61 =	vmul.f32 v54, v6;
	v62 =	vmul.f32 v55, v7;
	v53 =	vld [tilespmem:s15+$0x7];
	s11 =	sadd.s32 s19, s6  }
0x7c: {  	v56 =	vmul.f32 v56, v2;
	v54 =	vld [tilespmem:s11+$0x1];
	v28 =	vadd.f32 v28, v30;
	v30 =	vadd.f32 v42, v38  }
0x7d: {  	v38 =	vld [tilespmem:s14+$0x1];
	v63 =	vadd.f32 v63, v47;
	v47 =	vadd.f32 v62, v61;
	v61 =	vmul.f32 v57, v8  }
0x7e: {  	v62 =	vmul.f32 v58, v9;
	v42 =	vld [tilespmem:s15+$0x6];
	v57 =	vmul.f32 v60, v11  }
0x7f: {  	s10 =	sadd.s32 s13, s12;
	s20 =	sor.u32 $0x20, s0;
	v26 =	vadd.f32 v26, v44;
	v44 =	vld [tilespmem:s16+$0x0];
	v31 =	vmul.f32 v31, v18;
	v33 =	vmul.f32 v33, v19  }
0x80: {  	s6 =	sadd.s32 s20, s6;
	v35 =	vmul.f32 v35, v20;
	v58 =	vmul.f32 v39, v22;
	v39 =	vld [tilespmem:s10+$0x7]  }
0x81: {  	s18 =	sadd.s32 s31, s12;
	v37 =	vmul.f32 v37, v21;
	v60 =	vmul.f32 v43, v24;
	v43 =	vld [tilespmem:s6+$0x6]  }
0x82: {  	v48 =	vmul.f32 v48, v6;
	v50 =	vadd.f32 v62, v61;
	v61 =	vmul.f32 v46, v25;
	v46 =	vld [tilespmem:s18+$0x1]  }
0x83: {  	s21 =	sadd.s32 s19, s5;
	v36 =	vadd.f32 v63, v36;
	v63 =	vmul.f32 v59, v10;
	v59 =	vmul.f32 v41, v23;
	v41 =	vld [tilespmem:s10+$0x6]  }
0x84: {  	v28 =	vadd.f32 v30, v28;
	v26 =	vadd.f32 v26, v56;
	v56 =	vmul.f32 v49, v9;
	v49 =	vld [tilespmem:s21+$0x1]  }
0x85: {  	v52 =	vmul.f32 v52, v7;
	v35 =	vadd.f32 v37, v35;
	v37 =	vld [tilespmem:s18+$0x2];
	v32 =	vmul.f32 v32, v1  }
0x86: {  	s17 =	sadd.s32 s13, s4;
	v34 =	vmul.f32 v34, v3;
	v40 =	vmul.f32 v40, v4;
	v30 =	vadd.f32 v26, v28;
	v28 =	vld [tilespmem:s16+$0x1]  }
0x87: {  	s22 =	sadd.s32 s19, s4;
	v26 =	vmul.f32 v27, v13;
	v27 =	vmul.f32 v29, v16;
	v47 =	vadd.f32 v50, v47;
	v50 =	vld [tilespmem:s17+$0x7]  }
0x88: {  	v29 =	vadd.f32 v57, v63;
	v63 =	vmul.f32 v45, v5;
	v57 =	vmul.f32 v53, v10;
	v53 =	vld [tilespmem:s22+$0x1]  }
0x89: {  	s5 =	sadd.s32 s20, s5;
	v32 =	vadd.f32 v34, v32;
	v55 =	vmul.f32 v38, v8;
	v34 =	vadd.f32 v52, v48;
	v48 =	vld [tilespmem:s21+$0x2]  }
0x8a: {  	v42 =	vmul.f32 v42, v11;
	v38 =	vld [tilespmem:s5+$0x7];
	v26 =	vadd.f32 v27, v26;
	v27 =	vadd.f32 v33, v31  }
0x8b: {  	v31 =	vld [tilespmem:s17+$0x6];
	v36 =	vadd.f32 v47, v36;
	v33 =	vadd.f32 v59, v58;
	v58 =	vmul.f32 v51, v13  }
0x8c: {  	v47 =	vld [tilespmem:s11+$0x0];
	v59 =	vmul.f32 v44, v18;
	v26 =	vadd.f32 v26, v29;
	v27 =	vadd.f32 v35, v27  }
0x8d: {  	v62 =	vadd.f32 v61, v60;
	v51 =	vmul.f32 v39, v24;
	v39 =	vld [tilespmem:s22+$0x2];
	v52 =	vmul.f32 v41, v25  }
0x8e: {  	v29 =	vld [tilespmem:s18+$0x0];
	v61 =	vmul.f32 v37, v21;
	v28 =	vmul.f32 v28, v16;
	v26 =	vadd.f32 v27, v26  }
0x8f: {  	v35 =	vld [tilespmem:s11+$0x2];
	v60 =	vmul.f32 v50, v19;
	v27 =	vadd.f32 v62, v33;
	v33 =	vadd.f32 v63, v40  }
0x90: {  	v37 =	vld [tilespmem:s22+$0x0];
	v63 =	vmul.f32 v46, v22;
	v31 =	vmul.f32 v31, v20;
	v28 =	vadd.f32 v28, v58  }
0x91: {  	v50 =	vld [tilespmem:s21+$0x0];
	v62 =	vadd.f32 v60, v59;
	v58 =	vmul.f32 v43, v6;
	v59 =	vmul.f32 v48, v7  }
0x92: {  	s23 =	sadd.s32 s19, s12;
	v40 =	vld [tilespmem:s6+$0x7];
	v39 =	vmul.f32 v39, v13;
	v26 =	vadd.f32 v26, v36;
	v32 =	vadd.f32 v33, v32  }
0x93: {  	v60 =	vld [tilespmem:s23+$0x2];
	v36 =	vadd.f32 v56, v55;
	v33 =	vadd.f32 v42, v57;
	v56 =	vmul.f32 v47, v4  }
0x94: {  	s4 =	sadd.s32 s20, s4;
	v42 =	vld [tilespmem:s5+$0x6];
	v29 =	vmul.f32 v29, v23;
	v31 =	vadd.f32 v61, v31;
	v35 =	vmul.f32 v35, v1  }
0x95: {  	s25 =	sadd.s32 s20, s12;
	v55 =	vld [tilespmem:s4+$0x6];
	v37 =	vmul.f32 v37, v18;
	v34 =	vadd.f32 v36, v34;
	v28 =	vadd.f32 v28, v33  }
0x96: {  	v48 =	vmul.f32 v50, v9;
	v33 =	vmul.f32 v53, v16;
	v53 =	vld [tilespmem:s25+$0x6];
	v31 =	vadd.f32 v31, v62  }
0x97: {  	v29 =	vadd.f32 v29, v63;
	v57 =	vmul.f32 v40, v5;
	v62 =	vld [tilespmem:s23+$0x1];
	v63 =	vmul.f32 v49, v8  }
0x98: {  	v32 =	vadd.f32 v34, v32;
	v28 =	vadd.f32 v31, v28;
	v31 =	vmul.f32 v54, v3;
	v54 =	vld [tilespmem:s4+$0x7]  }
0x99: {  	v50 =	vmul.f32 v38, v10;
	v49 =	vld [tilespmem:s23+$0x0];
	v34 =	vadd.f32 v52, v51;
	v33 =	vadd.f32 v33, v39  }
0x9a: {  	v52 =	vld [tilespmem:s25+$0x7];
	v61 =	vadd.f32 v57, v56;
	v51 =	vmul.f32 v42, v11;
	v44 =	vadd.f32 v48, v63  }
0x9b: {  	s3 =	sadd.s32 s3, s1;
	v55 =	vmul.f32 v55, v20;
	v29 =	vadd.f32 v34, v29;
	v31 =	vadd.f32 v31, v35  }
0x9c: {  	v56 =	vmul.f32 v60, v21;
	v57 =	vld [tilespmem:s3+$0x1];
	v28 =	vadd.f32 v28, v32;
	v35 =	vadd.f32 v59, v58  }
0x9d: {  	s6 =	sadd.s32 s0, s1;
	v32 =	vadd.f32 v51, v50;
	v34 =	vmul.f32 v62, v22;
	v36 =	vmul.f32 v54, v19;
	v54 =	vld [tilespmem:s3+$0x2]  }
0x9e: {  	v60 =	vld [tilespmem:s6+$0x7];
	v59 =	vmul.f32 v49, v23;
	v62 =	vmul.f32 v53, v25;
	v31 =	vadd.f32 v61, v31  }
0x9f: {  	s26 =	sadd.s32 s31, s1;
	s28 =	simm.s32 $0x0;
	v58 =	vld [tilespmem:s3+$0x0];
	v44 =	vadd.f32 v44, v35;
	v35 =	vadd.f32 v56, v55;
	v61 =	vmul.f32 v52, v24  }
0xa0: {  	s29 =	sand.u32 $0x3FFFFE00, s28;
	v33 =	vadd.f32 v33, v32;
	v32 =	vld [tilespmem:s26+$0x2];
	v36 =	vadd.f32 v36, v37  }
0xa1: {  	s30 =	sadd.s32 $0xDF0, s29;
	s4 =	sadd.s32 s19, s1;
	v63 =	vadd.f32 v59, v34;
	v34 =	vld [tilespmem:s26+$0x0];
	v41 =	vadd.f32 v62, v61  }
0xa2: {  	s7 =	sadd.s32 s13, s1;
	s31 =	sadd.s32 s24, s30;
	v43 =	vmul.f32 v57, v14;
	v37 =	vld [tilespmem:s4+$0x2];
	v36 =	vadd.f32 v35, v36;
	v38 =	vmul.f32 v54, v17  }
0xa3: {  	s9 =	sadd.s32 s20, s1;
	s24 =	simm.s32 $0x0;
	[tilespmem:s31+$0x0] =	vst v30;
	s25 =	simm.s32 $0x0;
	v40 =	vmul.f32 v60, v15;
	v31 =	vadd.f32 v44, v31;
	v30 =	vadd.f32 v41, v63;
	v35 =	vld [tilespmem:s26+$0x1]  }
0xa4: {  	s1 =	sadd.s32 s0, s30;
	s0 =	sadd.s32 s13, s30;
	v39 =	vmul.f32 v58, v12;
	s26 =	sadd.s32 s20, s30;
	v33 =	vadd.f32 v36, v33;
	v36 =	vld [tilespmem:s7+$0x7];
	v38 =	vadd.f32 v43, v38  }
.LBB2_2:
0xa5: {  	s24 =	sadd.s32 $0x4, s24;
	v41 =	vld [tilespmem:s4+$0x1]  }
0xa6: {  	v60 =	vld [tilespmem:s4+$0x0];
	s2 =	sshrl.u32 s24, $0x5  }
0xa7: {  	v61 =	vld [tilespmem:s9+$0x7];
	s25 =	sadd.s32 $0x40, s25;
	s2 =	smul.u32 $0x840, s2  }
0xa8: {  	v42 =	vld [tilespmem:s6+$0x6];
	s3 =	sand.u32 $0x1C0, s25  }
0xa9: {  	v62 =	vld [tilespmem:s7+$0x6];
	s18 =	sor.u32 $0x38, s3;
	s20 =	sshra.s32 s2, $0x2  }
0xaa: {  	v45 =	vld [tilespmem:s9+$0x6];
	s2 =	sadd.s32 s18, s20  }
0xab: {  	v59 =	vadd.f32 v40, v39;
	v46 =	vld [tilespmem:s2+$0x2]  }
0xac: {  	s19 =	sor.u32 $0x18, s3;
	s11 =	sor.u32 $0x30, s3;
	v47 =	vld [tilespmem:s2+$0x1]  }
0xad: {  	v31 =	vadd.f32 v33, v31;
	v33 =	vadd.f32 v59, v38;
	s8 =	sadd.s32 s19, s20;
	s22 =	sadd.s32 s11, s20;
	s28 =	sadd.s32 $0x630, s20;
	v49 =	vld [tilespmem:s2+$0x0]  }
0xae: {  	[dreg:$0x3] =	wrdreg s8;
	s8 =	sadd.s32 $0x840, s20;
	v51 =	vld [tilespmem:s22+$0x7];
	s29 =	sadd.s32 s18, s28  }
0xaf: {  	s14 =	sor.u32 $0x8, s3;
	v27 =	vadd.f32 v33, v27;
	v50 =	vmul.f32 v42, v2;
	s10 =	sadd.s32 s18, s8;
	v56 =	vld [tilespmem:s29+$0x0]  }
0xb0: {  	v32 =	vmul.f32 v32, v17;
	v35 =	vmul.f32 v35, v14;
	s6 =	sadd.s32 s14, s20;
	v53 =	vld [tilespmem:s10+$0x2]  }
0xb1: {  	v34 =	vmul.f32 v34, v12;
	v36 =	vmul.f32 v36, v15;
	[dreg:$0x4] =	wrdreg s6;
	s6 =	sor.u32 $0x20, s3;
	v27 =	vadd.f32 v27, v50;
	v54 =	vld [tilespmem:s10+$0x1]  }
0xb2: {  	v32 =	vadd.f32 v35, v32;
	s17 =	sadd.s32 s6, s20;
	s21 =	sadd.s32 s11, s8;
	v55 =	vld [tilespmem:s10+$0x0]  }
0xb3: {  	v63 =	vadd.f32 v36, v34;
	[dreg:$0x8] =	wrdreg s17;
	s17 =	sadd.s32 s11, s28;
	v26 =	vadd.f32 v27, v26;
	v27 =	vld [tilespmem:s21+$0x7]  }
0xb4: {  	v37 =	vmul.f32 v37, v17;
	v44 =	vmul.f32 v41, v14;
	v57 =	vld [tilespmem:s17+$0x6]  }
0xb5: {  	v39 =	vmul.f32 v60, v12;
	v48 =	vmul.f32 v61, v15;
	s15 =	sadd.s32 s14, s8;
	v32 =	vadd.f32 v63, v32;
	[tilespmem:s1+$0x0] =	vst v26;
	v26 =	vld [tilespmem:s29+$0x2]  }
0xb6: {  	v35 =	vmul.f32 v62, v2;
	v34 =	vadd.f32 v44, v37;
	v50 =	vld [tilespmem:s15+$0x2]  }
0xb7: {  	v52 =	vadd.f32 v48, v39;
	v29 =	vadd.f32 v32, v29;
	v42 =	vmul.f32 v51, v15;
	v51 =	vld [tilespmem:s15+$0x1]  }
0xb8: {  	s12 =	sadd.s32 s3, s8;
	v61 =	vld [tilespmem:s15+$0x0]  }
0xb9: {  	s23 =	sadd.s32 s14, s28;
	v32 =	vadd.f32 v52, v34;
	v29 =	vadd.f32 v29, v35;
	v63 =	vld [tilespmem:s12+$0x7]  }
0xba: {  	v33 =	vmul.f32 v53, v1;
	v53 =	vld [tilespmem:s23+$0x2]  }
0xbb: {  	s5 =	sor.u32 $0x10, s3;
	s31 =	sor.u32 $0x28, s3;
	s7 =	sadd.s32 s3, s20;
	v36 =	vmul.f32 v45, v2;
	v28 =	vadd.f32 v29, v28;
	v29 =	vadd.f32 v32, v30;
	v30 =	vld [tilespmem:s21+$0x6]  }
0xbc: {  	[dreg:$0xb] =	wrdreg s7;
	s1 =	sadd.s32 s6, s28;
	s21 =	sadd.s32 $0x420, s20;
	v32 =	vmul.f32 v56, v9;
	v56 =	vld [tilespmem:s22+$0x6]  }
0xbd: {  	s9 =	sadd.s32 s5, s20;
	[dreg:$0x6] =	wrdreg s1;
	s1 =	sadd.s32 s14, s21;
	[tilespmem:s0+$0x0] =	vst v28;
	v28 =	vadd.f32 v29, v36;
	v29 =	vld [tilespmem:s29+$0x1]  }
0xbe: {  	[dreg:$0x9] =	wrdreg s9;
	s13 =	sadd.s32 s5, s8;
	s29 =	sadd.s32 s18, s21;
	v40 =	vld [tilespmem:s1+$0x1]  }
0xbf: {  	s30 =	sadd.s32 s3, s28;
	s16 =	sadd.s32 s6, s8;
	[dreg:$0xa] =	wrdreg s13;
	v58 =	vld [tilespmem:s29+$0x1]  }
0xc0: {  	s7 =	sadd.s32 s19, s8;
	s13 =	sadd.s32 s31, s8;
	[dreg:$0x5] =	wrdreg s16;
	v34 =	vmul.f32 v55, v4;
	v60 =	vld [tilespmem:s29+$0x0]  }
0xc1: {  	s10 =	sadd.s32 s19, s28;
	s8 =	sadd.s32 s5, s28;
	s16 =	sadd.s32 s31, s28;
	v35 =	vmul.f32 v57, v11;
	v57 =	vmul.f32 v61, v4;
	v61 =	vld [tilespmem:s30+$0x6]  }
0xc2: {  	v27 =	vmul.f32 v27, v5;
	s2 =	sadd.s32 s19, s21;
	s9 =	sadd.s32 s5, s21;
	s28 =	sadd.s32 s6, s21;
	v55 =	vmul.f32 v51, v3;
	v51 =	vld [tilespmem:s7+$0x1]  }
0xc3: {  	s0 =	sadd.s32 s3, s21;
	v28 =	vadd.f32 v28, v31;
	v31 =	vld [tilespmem:s17+$0x7];
	s17 =	sadd.s32 s31, s21;
	s21 =	sadd.s32 s11, s21  }
0xc4: {  	v27 =	vadd.f32 v27, v34;
	v34 =	vmul.f32 v63, v5;
	v43 =	vld [tilespmem:s21+$0x7]  }
0xc5: {  	v44 =	vld [tilespmem:s21+$0x6]  }
0xc6: {  	v26 =	vmul.f32 v26, v7;
	v30 =	vmul.f32 v30, v6;
	v34 =	vadd.f32 v34, v57;
	v57 =	vld [tilespmem:s10+$0x0]  }
0xc7: {  	[tilespmem:s26+$0x0] =	vst v28;
	v28 =	vld [tilespmem:s29+$0x2];
	s26 =	sadd.s32 $0x210, s20  }
0xc8: {  	[dreg:$0x7] =	wrdreg s28;
	s28 =	sadd.s32 s18, s26;
	v26 =	vadd.f32 v26, v30;
	v30 =	vld [tilespmem:s12+$0x6]  }
0xc9: {  	s4 =	sadd.s32 s31, s20;
	s14 =	sadd.s32 s14, s26;
	v45 =	vld [tilespmem:s28+$0x2]  }
0xca: {  	v38 =	vmul.f32 v46, v17;
	s29 =	sadd.s32 s3, s26;
	s21 =	sadd.s32 s19, s26;
	s18 =	sadd.s32 s5, s26;
	v46 =	vld [tilespmem:s28+$0x1]  }
0xcb: {  	v59 =	vmul.f32 v47, v14;
	v39 =	vmul.f32 v54, v3;
	s20 =	sadd.s32 s31, s26;
	s19 =	sadd.s32 s6, s26;
	s26 =	sadd.s32 s11, s26;
	v47 =	vld [tilespmem:s28+$0x0]  }
0xcc: {  	v37 =	vmul.f32 v49, v12;
	v48 =	vld [tilespmem:s26+$0x7]  }
0xcd: {  	v38 =	vadd.f32 v59, v38;
	v33 =	vadd.f32 v39, v33;
	v52 =	vmul.f32 v50, v1;
	v49 =	vld [tilespmem:s26+$0x6]  }
0xce: {  	v37 =	vadd.f32 v42, v37;
	v29 =	vmul.f32 v29, v8;
	v36 =	vmul.f32 v58, v16;
	v58 =	vld [tilespmem:s23+$0x1]  }
0xcf: {  	v27 =	vadd.f32 v27, v33;
	v41 =	vmul.f32 v60, v18;
	v60 =	vld [tilespmem:s23+$0x0];
	v31 =	vmul.f32 v31, v10  }
0xd0: {  	v50 =	vld [tilespmem:s29+$0x6];
	v29 =	vadd.f32 v32, v29;
	v43 =	vmul.f32 v43, v19;
	v44 =	vmul.f32 v44, v20  }
0xd1: {  	v28 =	vmul.f32 v28, v13;
	v31 =	vadd.f32 v35, v31;
	v35 =	vadd.f32 v55, v52;
	v52 =	vld [tilespmem:s7+$0x0]  }
0xd2: {  	v26 =	vadd.f32 v29, v26;
	v29 =	vmul.f32 v30, v6;
	v30 =	vld [tilespmem:s30+$0x7];
	v45 =	vmul.f32 v45, v21  }
0xd3: {  	v41 =	vadd.f32 v43, v41;
	v43 =	vld [tilespmem:s1+$0x0];
	v46 =	vmul.f32 v46, v22;
	v62 =	vmul.f32 v47, v23  }
0xd4: {  	v48 =	vmul.f32 v48, v24;
	v49 =	vmul.f32 v49, v25;
	v26 =	vadd.f32 v26, v27;
	v27 =	vld [tilespmem:s1+$0x2]  }
0xd5: {  	s22 =	rddreg [dreg:$0xa];
	v28 =	vadd.f32 v36, v28;
	v47 =	vld [tilespmem:s14+$0x0];
	v54 =	vadd.f32 v45, v44  }
0xd6: {  	v36 =	vmul.f32 v53, v7;
	v53 =	vld [tilespmem:s22+$0x7];
	v42 =	vadd.f32 v62, v46;
	v32 =	vadd.f32 v49, v48  }
0xd7: {  	v59 =	vadd.f32 v37, v38;
	v63 =	vmul.f32 v58, v8;
	v58 =	vld [tilespmem:s8+$0x7];
	v28 =	vadd.f32 v28, v31  }
0xd8: {  	v45 =	vld [tilespmem:s0+$0x6];
	v31 =	vadd.f32 v54, v41;
	v32 =	vadd.f32 v32, v42  }
0xd9: {  	v46 =	vld [tilespmem:s14+$0x1]  }
0xda: {  	v62 =	vmul.f32 v56, v2;
	v48 =	vld [tilespmem:s29+$0x7];
	v28 =	vadd.f32 v31, v28;
	v31 =	vadd.f32 v59, v32  }
0xdb: {  	v56 =	vld [tilespmem:s10+$0x1]  }
0xdc: {  	v44 =	vmul.f32 v61, v11;
	v61 =	vld [tilespmem:s2+$0x1];
	v26 =	vadd.f32 v28, v26;
	v28 =	vadd.f32 v31, v62  }
0xdd: {  	v31 =	vld [tilespmem:s0+$0x7]  }
0xde: {  	s30 =	sshll.u32 s24, $0x4;
	v26 =	vadd.f32 v28, v26;
	v28 =	vld [tilespmem:s14+$0x2]  }
0xdf: {  	s1 =	sand.u32 $0x3FFFFE00, s30;
	v42 =	vmul.f32 v60, v9;
	v54 =	vld [tilespmem:s10+$0x2]  }
0xe0: {  	v33 =	vmul.f32 v40, v16;
	s31 =	sadd.s32 $0xDF0, s1;
	v59 =	vld [tilespmem:s2+$0x2]  }
0xe1: {  	s15 =	sadd.s32 s11, s31;
	v30 =	vmul.f32 v30, v10;
	v27 =	vmul.f32 v27, v13;
	v32 =	vadd.f32 v42, v63;
	v63 =	vld [tilespmem:s2+$0x0]  }
0xe2: {  	v34 =	vadd.f32 v34, v35;
	v42 =	vld [tilespmem:s9+$0x7];
	v49 =	vmul.f32 v45, v20;
	[tilespmem:s15+$0x0] =	vst v26;
	v26 =	vmul.f32 v43, v18  }
0xe3: {  	v30 =	vadd.f32 v44, v30;
	v44 =	vld [tilespmem:s21+$0x2];
	v31 =	vmul.f32 v31, v19;
	v28 =	vmul.f32 v28, v21  }
0xe4: {  	v29 =	vadd.f32 v36, v29;
	v27 =	vadd.f32 v33, v27;
	v45 =	vld [tilespmem:s21+$0x1]  }
0xe5: {  	v35 =	vmul.f32 v48, v24;
	v48 =	vld [tilespmem:s18+$0x6];
	v26 =	vadd.f32 v31, v26;
	v28 =	vadd.f32 v28, v49  }
0xe6: {  	v33 =	vmul.f32 v52, v4;
	v52 =	vld [tilespmem:s13+$0x1];
	v29 =	vadd.f32 v32, v29  }
0xe7: {  	v32 =	vmul.f32 v47, v23;
	v27 =	vadd.f32 v27, v30;
	v30 =	vld [tilespmem:s7+$0x2];
	v26 =	vadd.f32 v28, v26  }
0xe8: {  	v29 =	vadd.f32 v29, v34;
	v34 =	vmul.f32 v50, v25;
	v31 =	vmul.f32 v46, v22;
	v28 =	vld [tilespmem:s22+$0x6]  }
0xe9: {  	v60 =	vmul.f32 v56, v8;
	v56 =	vld [tilespmem:s16+$0x1];
	v26 =	vadd.f32 v26, v27  }
0xea: {  	v47 =	vld [tilespmem:s18+$0x7];
	v34 =	vadd.f32 v34, v35;
	v31 =	vadd.f32 v32, v31  }
0xeb: {  	v55 =	vmul.f32 v51, v3;
	v62 =	vmul.f32 v57, v9;
	v26 =	vadd.f32 v26, v29;
	v29 =	vld [tilespmem:s8+$0x6]  }
0xec: {  	v57 =	vld [tilespmem:s16+$0x0];
	v30 =	vmul.f32 v30, v1;
	v27 =	vadd.f32 v34, v31;
	v31 =	vmul.f32 v53, v5  }
0xed: {  	v50 =	vld [tilespmem:s13+$0x2];
	v32 =	vmul.f32 v54, v7;
	v28 =	vmul.f32 v28, v6  }
0xee: {  	s28 =	rddreg [dreg:$0x6];
	v43 =	vld [tilespmem:s9+$0x6];
	v35 =	vmul.f32 v59, v13;
	v30 =	vadd.f32 v55, v30;
	v31 =	vadd.f32 v31, v33  }
0xef: {  	v37 =	vmul.f32 v52, v3;
	v59 =	vld [tilespmem:s28+$0x7];
	v33 =	vadd.f32 v62, v60;
	v28 =	vadd.f32 v32, v28  }
0xf0: {  	s29 =	rddreg [dreg:$0x7];
	v52 =	vld [tilespmem:s19+$0x7];
	v30 =	vadd.f32 v31, v30;
	v31 =	vmul.f32 v58, v10;
	v29 =	vmul.f32 v29, v11  }
0xf1: {  	v38 =	vmul.f32 v47, v24;
	v47 =	vld [tilespmem:s29+$0x6];
	v28 =	vadd.f32 v33, v28  }
0xf2: {  	v46 =	vld [tilespmem:s21+$0x0];
	v49 =	vmul.f32 v44, v21;
	v32 =	vmul.f32 v42, v19;
	v29 =	vadd.f32 v29, v31  }
0xf3: {  	s23 =	rddreg [dreg:$0x5];
	v55 =	vld [tilespmem:s16+$0x2];
	v31 =	vmul.f32 v63, v18;
	v28 =	vadd.f32 v28, v30;
	v30 =	vmul.f32 v43, v20  }
0xf4: {  	v36 =	vmul.f32 v61, v16;
	v54 =	vld [tilespmem:s23+$0x7]  }
0xf5: {  	v53 =	vld [tilespmem:s13+$0x0];
	v31 =	vadd.f32 v32, v31;
	v30 =	vadd.f32 v49, v30  }
0xf6: {  	v35 =	vadd.f32 v36, v35;
	v44 =	vld [tilespmem:s17+$0x0]  }
0xf7: {  	v51 =	vmul.f32 v45, v22;
	v30 =	vadd.f32 v30, v31;
	v31 =	vld [tilespmem:s23+$0x6]  }
0xf8: {  	v61 =	vmul.f32 v56, v8;
	v34 =	vmul.f32 v48, v25;
	v48 =	vld [tilespmem:s20+$0x2];
	v29 =	vadd.f32 v35, v29  }
0xf9: {  	v45 =	vmul.f32 v59, v10;
	v62 =	vld [tilespmem:s17+$0x1];
	v58 =	vmul.f32 v54, v5  }
0xfa: {  	v60 =	vld [tilespmem:s17+$0x2];
	v36 =	vmul.f32 v53, v4;
	v33 =	vmul.f32 v46, v23;
	v30 =	vadd.f32 v30, v29  }
0xfb: {  	v34 =	vadd.f32 v34, v38;
	v53 =	vld [tilespmem:s19+$0x6];
	v42 =	vmul.f32 v52, v24;
	v32 =	vmul.f32 v50, v1  }
0xfc: {  	v33 =	vadd.f32 v33, v51;
	v28 =	vadd.f32 v30, v28;
	v30 =	vmul.f32 v31, v6;
	v31 =	vld [tilespmem:s28+$0x6]  }
0xfd: {  	v46 =	vld [tilespmem:s29+$0x7];
	v63 =	vmul.f32 v57, v9;
	v35 =	vmul.f32 v55, v7;
	v32 =	vadd.f32 v37, v32  }
0xfe: {  	v38 =	vmul.f32 v62, v16;
	v51 =	vld [tilespmem:s20+$0x0];
	v29 =	vadd.f32 v34, v33;
	v33 =	vadd.f32 v58, v36  }
0xff: {  	s30 =	rddreg [dreg:$0x4];
	v49 =	vld [tilespmem:s20+$0x1];
	v50 =	vmul.f32 v44, v18;
	v36 =	vadd.f32 v63, v61;
	v30 =	vadd.f32 v35, v30  }
0x100: {  	v54 =	vld [tilespmem:s30+$0x2];
	v55 =	vmul.f32 v48, v21;
	v37 =	vmul.f32 v60, v13  }
0x101: {  	v56 =	vld [tilespmem:s30+$0x1];
	v32 =	vadd.f32 v33, v32;
	v30 =	vadd.f32 v36, v30;
	v31 =	vmul.f32 v31, v11  }
0x102: {  	s26 =	sadd.s32 s6, s31;
	s6 =	rddreg [dreg:$0xb];
	v60 =	vmul.f32 v53, v25;
	v34 =	vmul.f32 v46, v19  }
0x103: {  	p0 =	slt.u32 s24, $0x3C;
	v59 =	vld [tilespmem:s6+$0x7];
	v33 =	vadd.f32 v31, v45;
	v31 =	vadd.f32 v30, v32;
	v30 =	vmul.f32 v47, v20  }
0x104: {  	s1 =	sadd.s32 s3, s31;
	s0 =	sadd.s32 s5, s31;
	s31 =	rddreg [dreg:$0x3];
	v40 =	vmul.f32 v51, v23;
	v37 =	vadd.f32 v38, v37;
	v58 =	vld [tilespmem:s30+$0x0];
	v57 =	vmul.f32 v49, v22  }
.Ltmp0:
0x105: {  	s7 =	rddreg [dreg:$0x9];
	v62 =	vmul.f32 v54, v17;
	v34 =	vadd.f32 v34, v50;
	v35 =	vld [tilespmem:s31+$0x1];
	v30 =	vadd.f32 v55, v30;
	(pc) =	sbr.rel @p0 .LBB2_2-.Ltmp0, $4  }
0x106: {  	v63 =	vmul.f32 v56, v14;
	v42 =	vadd.f32 v60, v42;
	v61 =	vadd.f32 v40, v57;
	v36 =	vld [tilespmem:s7+$0x7]  }
0x107: {  	v32 =	vld [tilespmem:s31+$0x2];
	v33 =	vadd.f32 v37, v33;
	v30 =	vadd.f32 v30, v34  }
0x108: {  	v38 =	vadd.f32 v63, v62;
	v40 =	vmul.f32 v59, v15;
	v37 =	vld [tilespmem:s4+$0x2]  }
0x109: {  	s9 =	rddreg [dreg:$0x8];
	v39 =	vmul.f32 v58, v12;
	v34 =	vld [tilespmem:s31+$0x0];
	v33 =	vadd.f32 v30, v33;
	v30 =	vadd.f32 v42, v61  }
0x10a: {  	v1 =	vld [tilespmem:s4+$0x1]  }
0x10b: {  	v3 =	vld [tilespmem:s4+$0x0]  }
0x10c: {  	v4 =	vld [tilespmem:s9+$0x7];
	_ =	sdelay $0x1  }
0x10d: {  	v6 =	vmul.f32 v35, v14;
	v11 =	vmul.f32 v36, v15  }
0x10e: {  	v7 =	vadd.f32 v40, v39;
	v5 =	vmul.f32 v32, v17;
	v9 =	vmul.f32 v37, v17  }
0x10f: {  	v10 =	vld [tilespmem:s6+$0x6];
	v8 =	vmul.f32 v34, v12;
	v1 =	vmul.f32 v1, v14  }
0x110: {  	v13 =	vld [tilespmem:s7+$0x6];
	v7 =	vadd.f32 v7, v38;
	v3 =	vmul.f32 v3, v12;
	v4 =	vmul.f32 v4, v15  }
0x111: {  	v58 =	vld [tilespmem:s9+$0x6];
	v5 =	vadd.f32 v6, v5;
	v57 =	vadd.f32 v11, v8  }
0x112: {  	v1 =	vadd.f32 v1, v9;
	v3 =	vadd.f32 v4, v3  }
0x113: {  	v59 =	vadd.f32 v57, v5  }
0x114: {  	v60 =	vadd.f32 v7, v27;
	v61 =	vmul.f32 v10, v2;
	v1 =	vadd.f32 v3, v1  }
0x115: {  	v3 =	vmul.f32 v13, v2;
	v4 =	vadd.f32 v59, v29  }
0x116: {  	v5 =	vadd.f32 v60, v61;
	v2 =	vmul.f32 v58, v2;
	v1 =	vadd.f32 v1, v30  }
0x117: {  	v62 =	vadd.f32 v33, v31;
	v3 =	vadd.f32 v4, v3  }
0x118: {  	v63 =	vadd.f32 v5, v26;
	v1 =	vadd.f32 v1, v2  }
0x119: {  	v2 =	vadd.f32 v3, v28  }
0x11a: {  	[tilespmem:s1+$0x0] =	vst v63;
	v1 =	vadd.f32 v1, v62  }
0x11b: {  	[tilespmem:s0+$0x0] =	vst v2  }
0x11c: {  	s6 =	simm.s32 $0x0;
	[tilespmem:s26+$0x0] =	vst v1  }
0x11d: {  	s29 =	simm.s32 $0xDF0;
	s2 =	simm.s32 $0x1;
	s0 =	rddreg [dreg:$0xe]  }
0x11e: {  	[hbm4b:s0+s6] =	stream.linear.scatter [tilespmem:s29], [sflag:$0x1], $0x400, $0x38;
	[tilespmem:$0x11F0] =	vst v63  }
0x11f: {  	_ =	swait.ge [sflag:s2], $0x400  }
0x120: {  	s30 =	rddreg [dreg:$0x15]  }
0x121: {  	s31 =	rddreg [dreg:$0xf];
	s1 =	sadd.s32 $0x1, s30  }
0x122: {  	p0 =	sne.s32 s1, s31  }
.Ltmp1:
0x123: {  	_ = 	snop;
	(pc) =	sbr.rel @p0 .LBB2_1-.Ltmp1, $3  }
0x124: {  	_ =	sdelay $0x1  }
0x125: {  	[sflag:s2] =	ssyncset.done $0x0  }
0x126: {  	[sflag:s2] =	ssyncadd.s32 $0xFFFFFC00  }
0x127: {  	_ =	sfence.sel $0x180000  }
0x128: {  	[bflag:$0x0] =	sbarrier.arrive $0xFFFF  }
0x129: {  	_ =	strace $0x90000047  }
0x12a: {  	s0 =	stileid.u32;
	[bflag:$0x2] =	sbarrier.arrive $0xFFFF  }
0x12b: {  	p0 =	sne.s32 s0, $0x0;
	s0 =	rddreg [dreg:$0x2]  }
0x12c: {  	s0 =	sadd.s32 @!p0 $0x100000, s0  }
0x12d: {  	[sflag:s0] =	ssyncadd.tile.s32 @!p0 $0x1;
	_ =	shalt  }
.Lfunc_end2:
_tile_overlayer_lowered:
.L_overlay_start_2:
0x12e: {  	(tag) =	ssettag $0x2  }
0x12f: {  	s0 =	rddreg [dreg:$0x0];
	s2 =	stileid.u32  }
0x130: {  	s1 =	rddreg [dreg:$0x1];
	p0 =	sne.s32 s2, $0x0  }
0x131: {  	s3 =	rddreg [dreg:$0x2];
	[bflag:$0x3] =	sbarrier.arrive $0xFFFF;
	s2 =	simm.s32 @!p0 $0x1C01  }
0x132: {  	[timem:s3], [sflag:s2] =	dma.local @!p0 [hbm:s0], s1  }
0x133: {  	s0 =	simm.s32 @!p0 $0x1  }
0x134: {  	_ =	swait.ge @!p0 [sflag:s0], s1  }
0x135: {  	s1 =	ssub.s32 @!p0 $0x0, s1;
	[sflag:s0] =	ssyncset.done @!p0 $0x0  }
0x136: {  	[sflag:s0] =	ssyncadd.s32 @!p0 s1  }
0x137: {  	[bflag:$0x3] =	sbarrier.arrive $0xFFFF  }
0x138: {  	_ =	shalt  }

</sc_bundles>
